<compile_context>
chip_gen: v7x
topology: tpu7x:2x2x1
jax: 0.10.2.dev20260603
libtpu: 0.0.44.dev20260713+nightly
codegen_flags: <defaults>
</compile_context>

<pallas_src>
import functools

import jax
import jax.numpy as jnp
from jax import lax
from jax.experimental import pallas as pl
from jax.experimental.pallas import tpu as pltpu
from jax.experimental.pallas import tpu_sc as plsc

TAU = 8
E = 16
C_IN = 16
D_MODEL = 128
SEQ_LEN = 2048
LOW_RANK_D = 32
EPS = 1e-06
B = 4
N = 128
L_OUT = SEQ_LEN - TAU * (E - 1)
BN = B * N

R_BLK = 8

SC_CORES = 1
SC_SUBCORES = 16
SC_WORKERS = SC_CORES * SC_SUBCORES
ROWS_PER_WORKER = BN // SC_WORKERS
N_CHUNKS = N // 16


M_BLK = 1024


def _conv_fuse_body(x_ref, a_ref, s_ref):
    s_ref[...] = lax.dot_general(x_ref[...], a_ref[...],
                                 (((1,), (1,)), ((), ())),
                                 preferred_element_type=jnp.float32)


def _conv_fuse(xmat, amat):
    m = BN * C_IN
    return pl.pallas_call(
        _conv_fuse_body,
        grid=(m // M_BLK,),
        in_specs=[
            pl.BlockSpec((M_BLK, SEQ_LEN), lambda i: (i, 0)),
            pl.BlockSpec((E, SEQ_LEN), lambda i: (0, 0)),
        ],
        out_specs=pl.BlockSpec((M_BLK, E), lambda i: (i, 0)),
        out_shape=jax.ShapeDtypeStruct((m, E), jnp.float32),
    )(xmat, amat)


def _proj_body(s_ref, w_ref, b_ref, o_ref):
    acc = jnp.dot(s_ref[...], w_ref[...], preferred_element_type=jnp.float32)
    o_ref[...] = jax.nn.gelu(acc + b_ref[0])


def _proj(s2, cwf, lin_b):
    return pl.pallas_call(
        _proj_body,
        in_specs=[
            pl.BlockSpec(memory_space=pltpu.VMEM),
            pl.BlockSpec(memory_space=pltpu.VMEM),
            pl.BlockSpec(memory_space=pltpu.SMEM),
        ],
        out_shape=jax.ShapeDtypeStruct((BN, D_MODEL), jnp.float32),
    )(s2, cwf, lin_b)


def _pearson_body(t_ref, w_ref, u_ref, p_ref, m_ref):
    w = w_ref[...]
    u = u_ref[...]
    acc = None
    for b in range(B):
        t = t_ref[b]
        ct = t - jnp.mean(t, axis=-1, keepdims=True)
        vx = lax.dot_general(ct, w, (((1,), (1,)), ((), ())),
                             preferred_element_type=jnp.float32)
        vh = lax.dot_general(ct, u, (((1,), (1,)), ((), ())),
                             preferred_element_type=jnp.float32)
        vx = vx / jnp.sqrt(jnp.sum(vx * vx, axis=1, keepdims=True) + EPS)
        vh = vh / jnp.sqrt(jnp.sum(vh * vh, axis=1, keepdims=True) + EPS)
        p = lax.dot_general(vx, vh, (((1,), (1,)), ((), ())),
                            preferred_element_type=jnp.float32)
        p_ref[b] = p
        acc = p if acc is None else acc + p
    m_ref[...] = acc * (1.0 / B)


def _pearson(target, W_0, U_0):
    return pl.pallas_call(
        _pearson_body,
        out_shape=[
            jax.ShapeDtypeStruct((B, N, N), jnp.float32),
            jax.ShapeDtypeStruct((N, N), jnp.float32),
        ],
    )(target, W_0, U_0)


def _srt(v):
    k, _ = plsc.sort_key_val(v, v)
    return k


def _rev(v):
    return lax.rev(v, (0,))


def _merge16(a, b):
    rb = _rev(b)
    hi = jnp.maximum(a, rb)
    lo = jnp.minimum(a, rb)
    return _srt(lo), _srt(hi)


def _merge32_top32(a, b):
    a0, a1 = a
    rb0, rb1 = _rev(b[1]), _rev(b[0])
    h0 = jnp.maximum(a0, rb0)
    h1 = jnp.maximum(a1, rb1)
    m0 = jnp.minimum(h0, h1)
    m1 = jnp.maximum(h0, h1)
    return _srt(m0), _srt(m1)


def _row_threshold(v):
    s1 = [_srt(x) for x in v]
    s32 = [_merge16(s1[2 * i], s1[2 * i + 1]) for i in range(4)]
    e32 = _merge32_top32(s32[0], s32[1])
    f32 = _merge32_top32(s32[2], s32[3])
    rb0, rb1 = _rev(f32[1]), _rev(f32[0])
    h0 = jnp.maximum(e32[0], rb0)
    h1 = jnp.maximum(e32[1], rb1)
    return jnp.min(jnp.minimum(h0, h1))


def _topk_softmax_body(pc_hbm, out_hbm, rows_v, out_v):
    wid = lax.axis_index("s") * SC_CORES + lax.axis_index("c")
    base = wid * ROWS_PER_WORKER
    pltpu.sync_copy(pc_hbm.at[pl.ds(base, ROWS_PER_WORKER)], rows_v)

    def row_body(i, carry):
        v = [rows_v[i, pl.ds(16 * j, 16)] for j in range(N_CHUNKS)]
        thr = _row_threshold(v)
        masked = [jnp.where(vj >= thr, vj, 0.0) for vj in v]
        mx = masked[0]
        for mj in masked[1:]:
            mx = jnp.maximum(mx, mj)
        mxs = jnp.max(mx)
        ex = [jnp.exp(mj - mxs) for mj in masked]
        acc = ex[0]
        for ej in ex[1:]:
            acc = acc + ej
        denom = jnp.full((16,), jnp.sum(acc), dtype=jnp.float32)
        for j in range(N_CHUNKS):
            out_v[i, pl.ds(16 * j, 16)] = ex[j] / denom
        return carry

    lax.fori_loop(0, ROWS_PER_WORKER, row_body, 0)
    pltpu.sync_copy(out_v, out_hbm.at[pl.ds(base, ROWS_PER_WORKER)])


@functools.lru_cache(maxsize=1)
def _build_topk_softmax():
    return functools.partial(
        pl.kernel,
        out_type=jax.ShapeDtypeStruct((BN, N), jnp.float32),
        mesh=plsc.VectorSubcoreMesh(
            core_axis_name="c", subcore_axis_name="s",
            num_cores=SC_CORES, num_subcores=SC_SUBCORES),
        scratch_types=[
            pltpu.VMEM((ROWS_PER_WORKER, N), jnp.float32),
            pltpu.VMEM((ROWS_PER_WORKER, N), jnp.float32),
        ],
        compiler_params=pltpu.CompilerParams(needs_layout_passes=False),
    )(_topk_softmax_body)


def kernel(x, target, pearson_sparse_matrix, conv_w, W_0, U_0, lin_w, lin_b):
    del pearson_sparse_matrix
    lw = lin_w[0]
    amat = jnp.stack(
        [jnp.pad(lw, (TAU * e, SEQ_LEN - L_OUT - TAU * e)) for e in range(E)],
        axis=0)

    pc, pmean = _pearson(target, W_0.T, U_0.T)

    xmat = x.transpose(0, 1, 3, 2).reshape(BN * C_IN, SEQ_LEN)
    xmat, pc = lax.optimization_barrier((xmat, pc))
    s = _conv_fuse(xmat, amat)
    s2 = s.reshape(BN, C_IN * E)
    cwf = conv_w.transpose(1, 2, 0).reshape(C_IN * E, D_MODEL)
    proj = _proj(s2, cwf, lin_b)
    mult = _build_topk_softmax()(pc.reshape(BN, N)).reshape(B, N, N)
    return proj, mult, pmean

# --- scband reference (transcript-rebuilt; emitter-appended) ---
"""Pipeline reference for scband-manifold-embedding-64355789964007 (READ-ONLY COPY).

The authoritative reference and input builder live on the scoring server;
editing this copy changes nothing except your own understanding.
"""

import jax, jax.numpy as jnp
import numpy as np

TAU = 8
E = 16
C_IN = 16
D_MODEL = 128
SEQ_LEN = 2048
LOW_RANK_D = 32
EPS = 1e-06
B = 4
N = 128
L_OUT = SEQ_LEN - TAU * (E - 1)  # 1928


def setup_inputs(seed: int = 0) -> dict:
    key = jax.random.key(seed)
    ks = jax.random.split(key, 8)
    x = jax.random.normal(ks[0], (B, N, SEQ_LEN, C_IN), dtype=jnp.float32)
    target = jax.random.normal(ks[1], (B, N, SEQ_LEN), dtype=jnp.float32)
    pearson_sparse_matrix = jax.random.normal(ks[2], (N, N), dtype=jnp.float32)
    # Conv1d(c_in=16, d_model=128, kernel=E, dilation=tau, bias=False), kaiming fan_in
    conv_w = jax.random.normal(ks[3], (D_MODEL, C_IN, E), dtype=jnp.float32) * (2.0 / (C_IN * E)) ** 0.5
    # orthogonal low-rank projections W_0, U_0: [seq_len, low_rank_d]
    W_0 = jnp.linalg.qr(jax.random.normal(ks[4], (SEQ_LEN, LOW_RANK_D), dtype=jnp.float32))[0]
    U_0 = jnp.linalg.qr(jax.random.normal(ks[5], (SEQ_LEN, LOW_RANK_D), dtype=jnp.float32))[0]
    # conv_out_proj: Linear(n_manifold_embed, 1) + GELU
    lin_w = jax.random.normal(ks[6], (1, L_OUT), dtype=jnp.float32) * (1.0 / L_OUT) ** 0.5
    lin_b = jnp.zeros((1,), dtype=jnp.float32)
    return {"x": x, "target": target, "pearson_sparse_matrix": pearson_sparse_matrix,
            "conv_w": conv_w, "W_0": W_0, "U_0": U_0, "lin_w": lin_w, "lin_b": lin_b}


def _pearson_block(target, W_0, U_0):
    # epoch == 0, low_rank_corr=True, momentum=False, sparse_corr=True, use_topk_sparse=True
    vx = target - jnp.mean(target, axis=-1, keepdims=True)
    vx_hat = vx
    vx = jnp.matmul(vx, W_0)        # [B, N, d]
    vx_hat = jnp.matmul(vx_hat, U_0)
    num = jnp.matmul(vx, jnp.swapaxes(vx_hat, -1, -2))  # [B, N, N]
    den = jnp.matmul(jnp.sqrt(jnp.sum(vx ** 2, axis=-1, keepdims=True) + EPS),
                     jnp.swapaxes(jnp.sqrt(jnp.sum(vx_hat ** 2, axis=-1, keepdims=True) + EPS), -1, -2))
    pearson_cor = num / den
    # top-k masking along last dim, k = low_rank_d
    top_k_values, top_k_indices = jax.lax.top_k(pearson_cor, LOW_RANK_D)
    b_idx = jnp.arange(pearson_cor.shape[0])[:, None, None]
    n_idx = jnp.arange(pearson_cor.shape[1])[None, :, None]
    pearson_sparse_multiplier = jnp.zeros_like(pearson_cor).at[b_idx, n_idx, top_k_indices].set(top_k_values)
    # normalize_multiplier=True
    pearson_multiplier = jax.nn.softmax(pearson_sparse_multiplier, axis=-1)
    pearson_cor_mean = jnp.mean(pearson_cor, axis=0)  # [N, N]
    return pearson_multiplier, pearson_cor_mean


def reference(x, target, pearson_sparse_matrix, conv_w, W_0, U_0, lin_w, lin_b):
    Bx, Nx, Lx, Hx = x.shape
    # rearrange 'b n l h -> (b n) h l'
    inp_x = jnp.transpose(x.reshape(Bx * Nx, Lx, Hx), (0, 2, 1))
    conv_out = jax.lax.conv_general_dilated(
        inp_x, conv_w, window_strides=(1,), padding='VALID',
        rhs_dilation=(TAU,), dimension_numbers=('NCH', 'OIH', 'NCH'))  # [(BN), d_model, L_out]
    # pearson block is under torch.no_grad in the original
    pearson_multiplier, pearson_cor = jax.lax.stop_gradient(_pearson_block(target, W_0, U_0))
    # conv_out_proj: Linear over manifold-embed dim + GELU
    proj = jnp.matmul(conv_out, lin_w.T) + lin_b  # [(BN), d_model, 1]
    proj = jax.nn.gelu(jnp.squeeze(proj, -1))     # [(BN), d_model]
    return proj, pearson_multiplier, pearson_cor

if __name__ == "__main__":
    import jax
    _d = setup_inputs()
    print(jax.jit(kernel)(*tuple(_d.values())))

</pallas_src>

<mosaic_0001>
#map = affine_map<(d0, d1) -> (0, 0)>
module attributes {stable_mosaic.version = 14 : i64} {
  func.func @_topk_softmax_body(%arg0: i32, %arg1: i32, %arg2: memref<512x128xf32, #tpu.memory_space<hbm>>, %arg3: memref<512x128xf32, #tpu.memory_space<hbm>>, %arg4: memref<32x128xf32, #tpu.memory_space<vmem>>, %arg5: memref<32x128xf32, #tpu.memory_space<vmem>>) attributes {dimension_semantics = [#tpu.dimension_semantics<core_parallel>, #tpu.dimension_semantics<subcore_parallel>], iteration_bounds = array<i64: 1, 16>, scalar_prefetch = 0 : i64, scratch_operands = 2 : i64, tpu.core_type = #tpu.core_type<sc_vector_subcore>, window_params = [{transform_indices = #map}, {transform_indices = #map}]} {
    %mul3A = arith.constant 1 : i32
    %mul3A_0 = arith.muli %arg1, %mul3A : i32
    %add3A = arith.addi %mul3A_0, %arg0 : i32
    %mul3A_1 = arith.constant 32 : i32
    %mul3A_2 = arith.muli %add3A, %mul3A_1 : i32
    "tpu.region"() ({
      %run_scoped3A = tpu.sem_alloc : memref<!tpu.dma_semaphore, #tpu.memory_space<semaphore_mem>>
      %dma_start3A = arith.constant 0 : i32
      %dma_start3A_8 = tpu.memref_slice %arg2[%mul3A_2, %dma_start3A] : memref<512x128xf32, #tpu.memory_space<hbm>> -> memref<32x128xf32, #tpu.memory_space<hbm>>
      %dma_start3A_9 = arith.constant 0 : i32
      %dma_start3A_10 = tpu.memref_slice %arg2[%mul3A_2, %dma_start3A_9] : memref<512x128xf32, #tpu.memory_space<hbm>> -> memref<32x128xf32, #tpu.memory_space<hbm>>
      tpu.enqueue_dma source(%dma_start3A_10 : memref<32x128xf32, #tpu.memory_space<hbm>>) target(%arg4 : memref<32x128xf32, #tpu.memory_space<vmem>>) target_semaphore(%run_scoped3A : memref<!tpu.dma_semaphore, #tpu.memory_space<semaphore_mem>>)
      %dma_wait3A = arith.constant 0 : i32
      %dma_wait3A_11 = tpu.memref_slice %arg2[%mul3A_2, %dma_wait3A] : memref<512x128xf32, #tpu.memory_space<hbm>> -> memref<32x128xf32, #tpu.memory_space<hbm>>
      %dma_wait3A_12 = arith.constant 0 : i32
      %dma_wait3A_13 = tpu.memref_slice %arg2[%mul3A_2, %dma_wait3A_12] : memref<512x128xf32, #tpu.memory_space<hbm>> -> memref<32x128xf32, #tpu.memory_space<hbm>>
      tpu.wait_dma2 semaphore(%run_scoped3A : memref<!tpu.dma_semaphore, #tpu.memory_space<semaphore_mem>>) src(%dma_wait3A_13 : memref<32x128xf32, #tpu.memory_space<hbm>>) dst(%arg4 : memref<32x128xf32, #tpu.memory_space<vmem>>)
      tpu.yield
    }) : () -> ()
    %scan3A = arith.constant 0 : i32
    %scan3A_3 = arith.constant 0 : i32
    %scan3A_4 = arith.constant 32 : i32
    %scan3A_5 = arith.addi %scan3A_3, %scan3A_4 : i32
    %scan3A_6 = arith.constant 1 : i32
    scf.for %scan3A_8 = %scan3A_3 to %scan3A_5 step %scan3A_6  : i32 {
      %get3A = arith.index_cast %scan3A_8 : i32 to index
      %get3A_9 = arith.constant 0 : index
      %get3A_10 = tpu.vector_load %arg4[%get3A, %get3A_9] {strides = array<i32>} : memref<32x128xf32, #tpu.memory_space<vmem>>, vector<16xf32>,
      %get3A_11 = arith.index_cast %scan3A_8 : i32 to index
      %get3A_12 = arith.constant 16 : index
      %get3A_13 = tpu.vector_load %arg4[%get3A_11, %get3A_12] {strides = array<i32>} : memref<32x128xf32, #tpu.memory_space<vmem>>, vector<16xf32>,
      %get3A_14 = arith.index_cast %scan3A_8 : i32 to index
      %get3A_15 = arith.constant 32 : index
      %get3A_16 = tpu.vector_load %arg4[%get3A_14, %get3A_15] {strides = array<i32>} : memref<32x128xf32, #tpu.memory_space<vmem>>, vector<16xf32>,
      %get3A_17 = arith.index_cast %scan3A_8 : i32 to index
      %get3A_18 = arith.constant 48 : index
      %get3A_19 = tpu.vector_load %arg4[%get3A_17, %get3A_18] {strides = array<i32>} : memref<32x128xf32, #tpu.memory_space<vmem>>, vector<16xf32>,
      %get3A_20 = arith.index_cast %scan3A_8 : i32 to index
      %get3A_21 = arith.constant 64 : index
      %get3A_22 = tpu.vector_load %arg4[%get3A_20, %get3A_21] {strides = array<i32>} : memref<32x128xf32, #tpu.memory_space<vmem>>, vector<16xf32>,
      %get3A_23 = arith.index_cast %scan3A_8 : i32 to index
      %get3A_24 = arith.constant 80 : index
      %get3A_25 = tpu.vector_load %arg4[%get3A_23, %get3A_24] {strides = array<i32>} : memref<32x128xf32, #tpu.memory_space<vmem>>, vector<16xf32>,
      %get3A_26 = arith.index_cast %scan3A_8 : i32 to index
      %get3A_27 = arith.constant 96 : index
      %get3A_28 = tpu.vector_load %arg4[%get3A_26, %get3A_27] {strides = array<i32>} : memref<32x128xf32, #tpu.memory_space<vmem>>, vector<16xf32>,
      %get3A_29 = arith.index_cast %scan3A_8 : i32 to index
      %get3A_30 = arith.constant 112 : index
      %get3A_31 = tpu.vector_load %arg4[%get3A_29, %get3A_30] {strides = array<i32>} : memref<32x128xf32, #tpu.memory_space<vmem>>, vector<16xf32>,
      %masked_sort3A = arith.constant dense<true> : vector<16xi1>
      %masked_sort3A_32, %masked_sort3A_33, %masked_sort3A_34 = tpu.sort %get3A_10, %get3A_10 masked %masked_sort3A : (vector<16xf32>, vector<16xf32>, vector<16xi1>) -> (vector<16xi1>, vector<16xf32>, vector<16xf32>)
      %masked_sort3A_35 = arith.constant dense<true> : vector<16xi1>
      %masked_sort3A_36, %masked_sort3A_37, %masked_sort3A_38 = tpu.sort %get3A_13, %get3A_13 masked %masked_sort3A_35 : (vector<16xf32>, vector<16xf32>, vector<16xi1>) -> (vector<16xi1>, vector<16xf32>, vector<16xf32>)
      %masked_sort3A_39 = arith.constant dense<true> : vector<16xi1>
      %masked_sort3A_40, %masked_sort3A_41, %masked_sort3A_42 = tpu.sort %get3A_16, %get3A_16 masked %masked_sort3A_39 : (vector<16xf32>, vector<16xf32>, vector<16xi1>) -> (vector<16xi1>, vector<16xf32>, vector<16xf32>)
      %masked_sort3A_43 = arith.constant dense<true> : vector<16xi1>
      %masked_sort3A_44, %masked_sort3A_45, %masked_sort3A_46 = tpu.sort %get3A_19, %get3A_19 masked %masked_sort3A_43 : (vector<16xf32>, vector<16xf32>, vector<16xi1>) -> (vector<16xi1>, vector<16xf32>, vector<16xf32>)
      %masked_sort3A_47 = arith.constant dense<true> : vector<16xi1>
      %masked_sort3A_48, %masked_sort3A_49, %masked_sort3A_50 = tpu.sort %get3A_22, %get3A_22 masked %masked_sort3A_47 : (vector<16xf32>, vector<16xf32>, vector<16xi1>) -> (vector<16xi1>, vector<16xf32>, vector<16xf32>)
      %masked_sort3A_51 = arith.constant dense<true> : vector<16xi1>
      %masked_sort3A_52, %masked_sort3A_53, %masked_sort3A_54 = tpu.sort %get3A_25, %get3A_25 masked %masked_sort3A_51 : (vector<16xf32>, vector<16xf32>, vector<16xi1>) -> (vector<16xi1>, vector<16xf32>, vector<16xf32>)
      %masked_sort3A_55 = arith.constant dense<true> : vector<16xi1>
      %masked_sort3A_56, %masked_sort3A_57, %masked_sort3A_58 = tpu.sort %get3A_28, %get3A_28 masked %masked_sort3A_55 : (vector<16xf32>, vector<16xf32>, vector<16xi1>) -> (vector<16xi1>, vector<16xf32>, vector<16xf32>)
      %masked_sort3A_59 = arith.constant dense<true> : vector<16xi1>
      %masked_sort3A_60, %masked_sort3A_61, %masked_sort3A_62 = tpu.sort %get3A_31, %get3A_31 masked %masked_sort3A_59 : (vector<16xf32>, vector<16xf32>, vector<16xi1>) -> (vector<16xi1>, vector<16xf32>, vector<16xf32>)
      %rev3A = arith.constant 15 : i32
      %rev3A_63 = vector.broadcast %rev3A : i32 to vector<16xi32>
      %rev3A_64 = tpu.iota {dimensions = array<i32: 0>} : vector<16xi32>
      %rev3A_65 = arith.subi %rev3A_63, %rev3A_64 : vector<16xi32>
      %rev3A_66 = tpu.dynamic_gather %masked_sort3A_37[%rev3A_65] in [0] : vector<16xf32>, vector<16xi32> -> vector<16xf32>
      %max3A = arith.maximumf %masked_sort3A_33, %rev3A_66 : vector<16xf32>
      %min3A = arith.minimumf %masked_sort3A_33, %rev3A_66 : vector<16xf32>
      %masked_sort3A_67 = arith.constant dense<true> : vector<16xi1>
      %masked_sort3A_68, %masked_sort3A_69, %masked_sort3A_70 = tpu.sort %min3A, %min3A masked %masked_sort3A_67 : (vector<16xf32>, vector<16xf32>, vector<16xi1>) -> (vector<16xi1>, vector<16xf32>, vector<16xf32>)
      %masked_sort3A_71 = arith.constant dense<true> : vector<16xi1>
      %masked_sort3A_72, %masked_sort3A_73, %masked_sort3A_74 = tpu.sort %max3A, %max3A masked %masked_sort3A_71 : (vector<16xf32>, vector<16xf32>, vector<16xi1>) -> (vector<16xi1>, vector<16xf32>, vector<16xf32>)
      %rev3A_75 = arith.constant 15 : i32
      %rev3A_76 = vector.broadcast %rev3A_75 : i32 to vector<16xi32>
      %rev3A_77 = tpu.iota {dimensions = array<i32: 0>} : vector<16xi32>
      %rev3A_78 = arith.subi %rev3A_76, %rev3A_77 : vector<16xi32>
      %rev3A_79 = tpu.dynamic_gather %masked_sort3A_45[%rev3A_78] in [0] : vector<16xf32>, vector<16xi32> -> vector<16xf32>
      %max3A_80 = arith.maximumf %masked_sort3A_41, %rev3A_79 : vector<16xf32>
      %min3A_81 = arith.minimumf %masked_sort3A_41, %rev3A_79 : vector<16xf32>
      %masked_sort3A_82 = arith.constant dense<true> : vector<16xi1>
      %masked_sort3A_83, %masked_sort3A_84, %masked_sort3A_85 = tpu.sort %min3A_81, %min3A_81 masked %masked_sort3A_82 : (vector<16xf32>, vector<16xf32>, vector<16xi1>) -> (vector<16xi1>, vector<16xf32>, vector<16xf32>)
      %masked_sort3A_86 = arith.constant dense<true> : vector<16xi1>
      %masked_sort3A_87, %masked_sort3A_88, %masked_sort3A_89 = tpu.sort %max3A_80, %max3A_80 masked %masked_sort3A_86 : (vector<16xf32>, vector<16xf32>, vector<16xi1>) -> (vector<16xi1>, vector<16xf32>, vector<16xf32>)
      %rev3A_90 = arith.constant 15 : i32
      %rev3A_91 = vector.broadcast %rev3A_90 : i32 to vector<16xi32>
      %rev3A_92 = tpu.iota {dimensions = array<i32: 0>} : vector<16xi32>
      %rev3A_93 = arith.subi %rev3A_91, %rev3A_92 : vector<16xi32>
      %rev3A_94 = tpu.dynamic_gather %masked_sort3A_53[%rev3A_93] in [0] : vector<16xf32>, vector<16xi32> -> vector<16xf32>
      %max3A_95 = arith.maximumf %masked_sort3A_49, %rev3A_94 : vector<16xf32>
      %min3A_96 = arith.minimumf %masked_sort3A_49, %rev3A_94 : vector<16xf32>
      %masked_sort3A_97 = arith.constant dense<true> : vector<16xi1>
      %masked_sort3A_98, %masked_sort3A_99, %masked_sort3A_100 = tpu.sort %min3A_96, %min3A_96 masked %masked_sort3A_97 : (vector<16xf32>, vector<16xf32>, vector<16xi1>) -> (vector<16xi1>, vector<16xf32>, vector<16xf32>)
      %masked_sort3A_101 = arith.constant dense<true> : vector<16xi1>
      %masked_sort3A_102, %masked_sort3A_103, %masked_sort3A_104 = tpu.sort %max3A_95, %max3A_95 masked %masked_sort3A_101 : (vector<16xf32>, vector<16xf32>, vector<16xi1>) -> (vector<16xi1>, vector<16xf32>, vector<16xf32>)
      %rev3A_105 = arith.constant 15 : i32
      %rev3A_106 = vector.broadcast %rev3A_105 : i32 to vector<16xi32>
      %rev3A_107 = tpu.iota {dimensions = array<i32: 0>} : vector<16xi32>
      %rev3A_108 = arith.subi %rev3A_106, %rev3A_107 : vector<16xi32>
      %rev3A_109 = tpu.dynamic_gather %masked_sort3A_61[%rev3A_108] in [0] : vector<16xf32>, vector<16xi32> -> vector<16xf32>
      %max3A_110 = arith.maximumf %masked_sort3A_57, %rev3A_109 : vector<16xf32>
      %min3A_111 = arith.minimumf %masked_sort3A_57, %rev3A_109 : vector<16xf32>
      %masked_sort3A_112 = arith.constant dense<true> : vector<16xi1>
      %masked_sort3A_113, %masked_sort3A_114, %masked_sort3A_115 = tpu.sort %min3A_111, %min3A_111 masked %masked_sort3A_112 : (vector<16xf32>, vector<16xf32>, vector<16xi1>) -> (vector<16xi1>, vector<16xf32>, vector<16xf32>)
      %masked_sort3A_116 = arith.constant dense<true> : vector<16xi1>
      %masked_sort3A_117, %masked_sort3A_118, %masked_sort3A_119 = tpu.sort %max3A_110, %max3A_110 masked %masked_sort3A_116 : (vector<16xf32>, vector<16xf32>, vector<16xi1>) -> (vector<16xi1>, vector<16xf32>, vector<16xf32>)
      %rev3A_120 = arith.constant 15 : i32
      %rev3A_121 = vector.broadcast %rev3A_120 : i32 to vector<16xi32>
      %rev3A_122 = tpu.iota {dimensions = array<i32: 0>} : vector<16xi32>
      %rev3A_123 = arith.subi %rev3A_121, %rev3A_122 : vector<16xi32>
      %rev3A_124 = tpu.dynamic_gather %masked_sort3A_88[%rev3A_123] in [0] : vector<16xf32>, vector<16xi32> -> vector<16xf32>
      %rev3A_125 = arith.constant 15 : i32
      %rev3A_126 = vector.broadcast %rev3A_125 : i32 to vector<16xi32>
      %rev3A_127 = tpu.iota {dimensions = array<i32: 0>} : vector<16xi32>
      %rev3A_128 = arith.subi %rev3A_126, %rev3A_127 : vector<16xi32>
      %rev3A_129 = tpu.dynamic_gather %masked_sort3A_84[%rev3A_128] in [0] : vector<16xf32>, vector<16xi32> -> vector<16xf32>
      %max3A_130 = arith.maximumf %masked_sort3A_69, %rev3A_124 : vector<16xf32>
      %max3A_131 = arith.maximumf %masked_sort3A_73, %rev3A_129 : vector<16xf32>
      %min3A_132 = arith.minimumf %max3A_130, %max3A_131 : vector<16xf32>
      %max3A_133 = arith.maximumf %max3A_130, %max3A_131 : vector<16xf32>
      %masked_sort3A_134 = arith.constant dense<true> : vector<16xi1>
      %masked_sort3A_135, %masked_sort3A_136, %masked_sort3A_137 = tpu.sort %min3A_132, %min3A_132 masked %masked_sort3A_134 : (vector<16xf32>, vector<16xf32>, vector<16xi1>) -> (vector<16xi1>, vector<16xf32>, vector<16xf32>)
      %masked_sort3A_138 = arith.constant dense<true> : vector<16xi1>
      %masked_sort3A_139, %masked_sort3A_140, %masked_sort3A_141 = tpu.sort %max3A_133, %max3A_133 masked %masked_sort3A_138 : (vector<16xf32>, vector<16xf32>, vector<16xi1>) -> (vector<16xi1>, vector<16xf32>, vector<16xf32>)
      %rev3A_142 = arith.constant 15 : i32
      %rev3A_143 = vector.broadcast %rev3A_142 : i32 to vector<16xi32>
      %rev3A_144 = tpu.iota {dimensions = array<i32: 0>} : vector<16xi32>
      %rev3A_145 = arith.subi %rev3A_143, %rev3A_144 : vector<16xi32>
      %rev3A_146 = tpu.dynamic_gather %masked_sort3A_118[%rev3A_145] in [0] : vector<16xf32>, vector<16xi32> -> vector<16xf32>
      %rev3A_147 = arith.constant 15 : i32
      %rev3A_148 = vector.broadcast %rev3A_147 : i32 to vector<16xi32>
      %rev3A_149 = tpu.iota {dimensions = array<i32: 0>} : vector<16xi32>
      %rev3A_150 = arith.subi %rev3A_148, %rev3A_149 : vector<16xi32>
      %rev3A_151 = tpu.dynamic_gather %masked_sort3A_114[%rev3A_150] in [0] : vector<16xf32>, vector<16xi32> -> vector<16xf32>
      %max3A_152 = arith.maximumf %masked_sort3A_99, %rev3A_146 : vector<16xf32>
      %max3A_153 = arith.maximumf %masked_sort3A_103, %rev3A_151 : vector<16xf32>
      %min3A_154 = arith.minimumf %max3A_152, %max3A_153 : vector<16xf32>
      %max3A_155 = arith.maximumf %max3A_152, %max3A_153 : vector<16xf32>
      %masked_sort3A_156 = arith.constant dense<true> : vector<16xi1>
      %masked_sort3A_157, %masked_sort3A_158, %masked_sort3A_159 = tpu.sort %min3A_154, %min3A_154 masked %masked_sort3A_156 : (vector<16xf32>, vector<16xf32>, vector<16xi1>) -> (vector<16xi1>, vector<16xf32>, vector<16xf32>)
      %masked_sort3A_160 = arith.constant dense<true> : vector<16xi1>
      %masked_sort3A_161, %masked_sort3A_162, %masked_sort3A_163 = tpu.sort %max3A_155, %max3A_155 masked %masked_sort3A_160 : (vector<16xf32>, vector<16xf32>, vector<16xi1>) -> (vector<16xi1>, vector<16xf32>, vector<16xf32>)
      %rev3A_164 = arith.constant 15 : i32
      %rev3A_165 = vector.broadcast %rev3A_164 : i32 to vector<16xi32>
      %rev3A_166 = tpu.iota {dimensions = array<i32: 0>} : vector<16xi32>
      %rev3A_167 = arith.subi %rev3A_165, %rev3A_166 : vector<16xi32>
      %rev3A_168 = tpu.dynamic_gather %masked_sort3A_162[%rev3A_167] in [0] : vector<16xf32>, vector<16xi32> -> vector<16xf32>
      %rev3A_169 = arith.constant 15 : i32
      %rev3A_170 = vector.broadcast %rev3A_169 : i32 to vector<16xi32>
      %rev3A_171 = tpu.iota {dimensions = array<i32: 0>} : vector<16xi32>
      %rev3A_172 = arith.subi %rev3A_170, %rev3A_171 : vector<16xi32>
      %rev3A_173 = tpu.dynamic_gather %masked_sort3A_158[%rev3A_172] in [0] : vector<16xf32>, vector<16xi32> -> vector<16xf32>
      %max3A_174 = arith.maximumf %masked_sort3A_136, %rev3A_168 : vector<16xf32>
      %max3A_175 = arith.maximumf %masked_sort3A_140, %rev3A_173 : vector<16xf32>
      %min3A_176 = arith.minimumf %max3A_174, %max3A_175 : vector<16xf32>
      %reduce_min3A = arith.constant true
      %reduce_min3A_177 = vector.broadcast %reduce_min3A : i1 to vector<16xi1>
      %reduce_min3A_178 = tpu.scan <min>, %min3A_176 masked %reduce_min3A_177 : vector<16xf32>, vector<16xi1> -> vector<16xf32>
      %reduce_min3A_179 = vector.extract %reduce_min3A_178[15] : f32 from vector<16xf32>
      %ge3A = vector.broadcast %reduce_min3A_179 : f32 to vector<16xf32>
      %ge3A_180 = arith.cmpf oge, %get3A_10, %ge3A : vector<16xf32>
      %jit3A = arith.constant 0.000000e+00 : f32
      %broadcast_in_dim3A = vector.broadcast %jit3A : f32 to vector<16xf32>
      %select_n3A = arith.select %ge3A_180, %get3A_10, %broadcast_in_dim3A : vector<16xi1>, vector<16xf32>
      %ge3A_181 = vector.broadcast %reduce_min3A_179 : f32 to vector<16xf32>
      %ge3A_182 = arith.cmpf oge, %get3A_13, %ge3A_181 : vector<16xf32>
      %jit3A_183 = arith.constant 0.000000e+00 : f32
      %broadcast_in_dim3A_184 = vector.broadcast %jit3A_183 : f32 to vector<16xf32>
      %select_n3A_185 = arith.select %ge3A_182, %get3A_13, %broadcast_in_dim3A_184 : vector<16xi1>, vector<16xf32>
      %ge3A_186 = vector.broadcast %reduce_min3A_179 : f32 to vector<16xf32>
      %ge3A_187 = arith.cmpf oge, %get3A_16, %ge3A_186 : vector<16xf32>
      %jit3A_188 = arith.constant 0.000000e+00 : f32
      %broadcast_in_dim3A_189 = vector.broadcast %jit3A_188 : f32 to vector<16xf32>
      %select_n3A_190 = arith.select %ge3A_187, %get3A_16, %broadcast_in_dim3A_189 : vector<16xi1>, vector<16xf32>
      %ge3A_191 = vector.broadcast %reduce_min3A_179 : f32 to vector<16xf32>
      %ge3A_192 = arith.cmpf oge, %get3A_19, %ge3A_191 : vector<16xf32>
      %jit3A_193 = arith.constant 0.000000e+00 : f32
      %broadcast_in_dim3A_194 = vector.broadcast %jit3A_193 : f32 to vector<16xf32>
      %select_n3A_195 = arith.select %ge3A_192, %get3A_19, %broadcast_in_dim3A_194 : vector<16xi1>, vector<16xf32>
      %ge3A_196 = vector.broadcast %reduce_min3A_179 : f32 to vector<16xf32>
      %ge3A_197 = arith.cmpf oge, %get3A_22, %ge3A_196 : vector<16xf32>
      %jit3A_198 = arith.constant 0.000000e+00 : f32
      %broadcast_in_dim3A_199 = vector.broadcast %jit3A_198 : f32 to vector<16xf32>
      %select_n3A_200 = arith.select %ge3A_197, %get3A_22, %broadcast_in_dim3A_199 : vector<16xi1>, vector<16xf32>
      %ge3A_201 = vector.broadcast %reduce_min3A_179 : f32 to vector<16xf32>
      %ge3A_202 = arith.cmpf oge, %get3A_25, %ge3A_201 : vector<16xf32>
      %jit3A_203 = arith.constant 0.000000e+00 : f32
      %broadcast_in_dim3A_204 = vector.broadcast %jit3A_203 : f32 to vector<16xf32>
      %select_n3A_205 = arith.select %ge3A_202, %get3A_25, %broadcast_in_dim3A_204 : vector<16xi1>, vector<16xf32>
      %ge3A_206 = vector.broadcast %reduce_min3A_179 : f32 to vector<16xf32>
      %ge3A_207 = arith.cmpf oge, %get3A_28, %ge3A_206 : vector<16xf32>
      %jit3A_208 = arith.constant 0.000000e+00 : f32
      %broadcast_in_dim3A_209 = vector.broadcast %jit3A_208 : f32 to vector<16xf32>
      %select_n3A_210 = arith.select %ge3A_207, %get3A_28, %broadcast_in_dim3A_209 : vector<16xi1>, vector<16xf32>
      %ge3A_211 = vector.broadcast %reduce_min3A_179 : f32 to vector<16xf32>
      %ge3A_212 = arith.cmpf oge, %get3A_31, %ge3A_211 : vector<16xf32>
      %jit3A_213 = arith.constant 0.000000e+00 : f32
      %broadcast_in_dim3A_214 = vector.broadcast %jit3A_213 : f32 to vector<16xf32>
      %select_n3A_215 = arith.select %ge3A_212, %get3A_31, %broadcast_in_dim3A_214 : vector<16xi1>, vector<16xf32>
      %max3A_216 = arith.maximumf %select_n3A, %select_n3A_185 : vector<16xf32>
      %max3A_217 = arith.maximumf %max3A_216, %select_n3A_190 : vector<16xf32>
      %max3A_218 = arith.maximumf %max3A_217, %select_n3A_195 : vector<16xf32>
      %max3A_219 = arith.maximumf %max3A_218, %select_n3A_200 : vector<16xf32>
      %max3A_220 = arith.maximumf %max3A_219, %select_n3A_205 : vector<16xf32>
      %max3A_221 = arith.maximumf %max3A_220, %select_n3A_210 : vector<16xf32>
      %max3A_222 = arith.maximumf %max3A_221, %select_n3A_215 : vector<16xf32>
      %reduce_max3A = arith.constant true
      %reduce_max3A_223 = vector.broadcast %reduce_max3A : i1 to vector<16xi1>
      %reduce_max3A_224 = tpu.scan <max>, %max3A_222 masked %reduce_max3A_223 : vector<16xf32>, vector<16xi1> -> vector<16xf32>
      %reduce_max3A_225 = vector.extract %reduce_max3A_224[15] : f32 from vector<16xf32>
      %sub3A = vector.broadcast %reduce_max3A_225 : f32 to vector<16xf32>
      %sub3A_226 = arith.subf %select_n3A, %sub3A : vector<16xf32>
      %exp3A = math.exp %sub3A_226 : vector<16xf32>
      %sub3A_227 = vector.broadcast %reduce_max3A_225 : f32 to vector<16xf32>
      %sub3A_228 = arith.subf %select_n3A_185, %sub3A_227 : vector<16xf32>
      %exp3A_229 = math.exp %sub3A_228 : vector<16xf32>
      %sub3A_230 = vector.broadcast %reduce_max3A_225 : f32 to vector<16xf32>
      %sub3A_231 = arith.subf %select_n3A_190, %sub3A_230 : vector<16xf32>
      %exp3A_232 = math.exp %sub3A_231 : vector<16xf32>
      %sub3A_233 = vector.broadcast %reduce_max3A_225 : f32 to vector<16xf32>
      %sub3A_234 = arith.subf %select_n3A_195, %sub3A_233 : vector<16xf32>
      %exp3A_235 = math.exp %sub3A_234 : vector<16xf32>
      %sub3A_236 = vector.broadcast %reduce_max3A_225 : f32 to vector<16xf32>
      %sub3A_237 = arith.subf %select_n3A_200, %sub3A_236 : vector<16xf32>
      %exp3A_238 = math.exp %sub3A_237 : vector<16xf32>
      %sub3A_239 = vector.broadcast %reduce_max3A_225 : f32 to vector<16xf32>
      %sub3A_240 = arith.subf %select_n3A_205, %sub3A_239 : vector<16xf32>
      %exp3A_241 = math.exp %sub3A_240 : vector<16xf32>
      %sub3A_242 = vector.broadcast %reduce_max3A_225 : f32 to vector<16xf32>
      %sub3A_243 = arith.subf %select_n3A_210, %sub3A_242 : vector<16xf32>
      %exp3A_244 = math.exp %sub3A_243 : vector<16xf32>
      %sub3A_245 = vector.broadcast %reduce_max3A_225 : f32 to vector<16xf32>
      %sub3A_246 = arith.subf %select_n3A_215, %sub3A_245 : vector<16xf32>
      %exp3A_247 = math.exp %sub3A_246 : vector<16xf32>
      %add3A_248 = arith.addf %exp3A, %exp3A_229 : vector<16xf32>
      %add3A_249 = arith.addf %add3A_248, %exp3A_232 : vector<16xf32>
      %add3A_250 = arith.addf %add3A_249, %exp3A_235 : vector<16xf32>
      %add3A_251 = arith.addf %add3A_250, %exp3A_238 : vector<16xf32>
      %add3A_252 = arith.addf %add3A_251, %exp3A_241 : vector<16xf32>
      %add3A_253 = arith.addf %add3A_252, %exp3A_244 : vector<16xf32>
      %add3A_254 = arith.addf %add3A_253, %exp3A_247 : vector<16xf32>
      %reduce_sum3A = arith.constant true
      %reduce_sum3A_255 = vector.broadcast %reduce_sum3A : i1 to vector<16xi1>
      %reduce_sum3A_256 = tpu.scan <sum>, %add3A_254 masked %reduce_sum3A_255 : vector<16xf32>, vector<16xi1> -> vector<16xf32>
      %reduce_sum3A_257 = vector.extract %reduce_sum3A_256[15] : f32 from vector<16xf32>
      %broadcast_in_dim3A_258 = vector.broadcast %reduce_sum3A_257 : f32 to vector<16xf32>
      %div3A = arith.divf %exp3A, %broadcast_in_dim3A_258 : vector<16xf32>
      %swap3A = arith.index_cast %scan3A_8 : i32 to index
      %swap3A_259 = arith.constant 0 : index
      %swap3A_260 = tpu.vector_load %arg5[%swap3A, %swap3A_259] {strides = array<i32>} : memref<32x128xf32, #tpu.memory_space<vmem>>, vector<16xf32>,
      tpu.vector_store %arg5[%swap3A, %swap3A_259], %div3A {strides = array<i32>} : memref<32x128xf32, #tpu.memory_space<vmem>>, vector<16xf32>,
      %div3A_261 = arith.divf %exp3A_229, %broadcast_in_dim3A_258 : vector<16xf32>
      %swap3A_262 = arith.index_cast %scan3A_8 : i32 to index
      %swap3A_263 = arith.constant 16 : index
      %swap3A_264 = tpu.vector_load %arg5[%swap3A_262, %swap3A_263] {strides = array<i32>} : memref<32x128xf32, #tpu.memory_space<vmem>>, vector<16xf32>,
      tpu.vector_store %arg5[%swap3A_262, %swap3A_263], %div3A_261 {strides = array<i32>} : memref<32x128xf32, #tpu.memory_space<vmem>>, vector<16xf32>,
      %div3A_265 = arith.divf %exp3A_232, %broadcast_in_dim3A_258 : vector<16xf32>
      %swap3A_266 = arith.index_cast %scan3A_8 : i32 to index
      %swap3A_267 = arith.constant 32 : index
      %swap3A_268 = tpu.vector_load %arg5[%swap3A_266, %swap3A_267] {strides = array<i32>} : memref<32x128xf32, #tpu.memory_space<vmem>>, vector<16xf32>,
      tpu.vector_store %arg5[%swap3A_266, %swap3A_267], %div3A_265 {strides = array<i32>} : memref<32x128xf32, #tpu.memory_space<vmem>>, vector<16xf32>,
      %div3A_269 = arith.divf %exp3A_235, %broadcast_in_dim3A_258 : vector<16xf32>
      %swap3A_270 = arith.index_cast %scan3A_8 : i32 to index
      %swap3A_271 = arith.constant 48 : index
      %swap3A_272 = tpu.vector_load %arg5[%swap3A_270, %swap3A_271] {strides = array<i32>} : memref<32x128xf32, #tpu.memory_space<vmem>>, vector<16xf32>,
      tpu.vector_store %arg5[%swap3A_270, %swap3A_271], %div3A_269 {strides = array<i32>} : memref<32x128xf32, #tpu.memory_space<vmem>>, vector<16xf32>,
      %div3A_273 = arith.divf %exp3A_238, %broadcast_in_dim3A_258 : vector<16xf32>
      %swap3A_274 = arith.index_cast %scan3A_8 : i32 to index
      %swap3A_275 = arith.constant 64 : index
      %swap3A_276 = tpu.vector_load %arg5[%swap3A_274, %swap3A_275] {strides = array<i32>} : memref<32x128xf32, #tpu.memory_space<vmem>>, vector<16xf32>,
      tpu.vector_store %arg5[%swap3A_274, %swap3A_275], %div3A_273 {strides = array<i32>} : memref<32x128xf32, #tpu.memory_space<vmem>>, vector<16xf32>,
      %div3A_277 = arith.divf %exp3A_241, %broadcast_in_dim3A_258 : vector<16xf32>
      %swap3A_278 = arith.index_cast %scan3A_8 : i32 to index
      %swap3A_279 = arith.constant 80 : index
      %swap3A_280 = tpu.vector_load %arg5[%swap3A_278, %swap3A_279] {strides = array<i32>} : memref<32x128xf32, #tpu.memory_space<vmem>>, vector<16xf32>,
      tpu.vector_store %arg5[%swap3A_278, %swap3A_279], %div3A_277 {strides = array<i32>} : memref<32x128xf32, #tpu.memory_space<vmem>>, vector<16xf32>,
      %div3A_281 = arith.divf %exp3A_244, %broadcast_in_dim3A_258 : vector<16xf32>
      %swap3A_282 = arith.index_cast %scan3A_8 : i32 to index
      %swap3A_283 = arith.constant 96 : index
      %swap3A_284 = tpu.vector_load %arg5[%swap3A_282, %swap3A_283] {strides = array<i32>} : memref<32x128xf32, #tpu.memory_space<vmem>>, vector<16xf32>,
      tpu.vector_store %arg5[%swap3A_282, %swap3A_283], %div3A_281 {strides = array<i32>} : memref<32x128xf32, #tpu.memory_space<vmem>>, vector<16xf32>,
      %div3A_285 = arith.divf %exp3A_247, %broadcast_in_dim3A_258 : vector<16xf32>
      %swap3A_286 = arith.index_cast %scan3A_8 : i32 to index
      %swap3A_287 = arith.constant 112 : index
      %swap3A_288 = tpu.vector_load %arg5[%swap3A_286, %swap3A_287] {strides = array<i32>} : memref<32x128xf32, #tpu.memory_space<vmem>>, vector<16xf32>,
      tpu.vector_store %arg5[%swap3A_286, %swap3A_287], %div3A_285 {strides = array<i32>} : memref<32x128xf32, #tpu.memory_space<vmem>>, vector<16xf32>,
    }
    %scan3A_7 = arith.constant 32 : i32
    "tpu.region"() ({
      %run_scoped3A = tpu.sem_alloc : memref<!tpu.dma_semaphore, #tpu.memory_space<semaphore_mem>>
      %dma_start3A = arith.constant 0 : i32
      %dma_start3A_8 = tpu.memref_slice %arg3[%mul3A_2, %dma_start3A] : memref<512x128xf32, #tpu.memory_space<hbm>> -> memref<32x128xf32, #tpu.memory_space<hbm>>
      %dma_start3A_9 = arith.constant 0 : i32
      %dma_start3A_10 = tpu.memref_slice %arg3[%mul3A_2, %dma_start3A_9] : memref<512x128xf32, #tpu.memory_space<hbm>> -> memref<32x128xf32, #tpu.memory_space<hbm>>
      tpu.enqueue_dma source(%arg5 : memref<32x128xf32, #tpu.memory_space<vmem>>) target(%dma_start3A_10 : memref<32x128xf32, #tpu.memory_space<hbm>>) target_semaphore(%run_scoped3A : memref<!tpu.dma_semaphore, #tpu.memory_space<semaphore_mem>>)
      %dma_wait3A = arith.constant 0 : i32
      %dma_wait3A_11 = tpu.memref_slice %arg3[%mul3A_2, %dma_wait3A] : memref<512x128xf32, #tpu.memory_space<hbm>> -> memref<32x128xf32, #tpu.memory_space<hbm>>
      %dma_wait3A_12 = arith.constant 0 : i32
      %dma_wait3A_13 = tpu.memref_slice %arg3[%mul3A_2, %dma_wait3A_12] : memref<512x128xf32, #tpu.memory_space<hbm>> -> memref<32x128xf32, #tpu.memory_space<hbm>>
      tpu.wait_dma2 semaphore(%run_scoped3A : memref<!tpu.dma_semaphore, #tpu.memory_space<semaphore_mem>>) src(%arg5 : memref<32x128xf32, #tpu.memory_space<vmem>>) dst(%dma_wait3A_13 : memref<32x128xf32, #tpu.memory_space<hbm>>)
      tpu.yield
    }) : () -> ()
    return
  }
}

module attributes {stable_mosaic.version = 14 : i64} {
  func.func @_pearson_body(%arg0: memref<4x128x2048xf32, #tpu.memory_space<vmem>>, %arg1: memref<32x2048xf32, #tpu.memory_space<vmem>>, %arg2: memref<32x2048xf32, #tpu.memory_space<vmem>>, %arg3: memref<4x128x128xf32, #tpu.memory_space<vmem>>, %arg4: memref<128x128xf32, #tpu.memory_space<vmem>>) attributes {dimension_semantics = [], scalar_prefetch = 0 : i64, scratch_operands = 0 : i64, tpu.core_type = #tpu.core_type<tc>} {
    %get3A = arith.constant 0 : index
    %get3A_0 = arith.constant 0 : index
    %get3A_1 = vector.load %arg1[%get3A, %get3A_0] : memref<32x2048xf32, #tpu.memory_space<vmem>>, vector<32x2048xf32>
    %get3A_2 = arith.constant 0 : index
    %get3A_3 = arith.constant 0 : index
    %get3A_4 = vector.load %arg2[%get3A_2, %get3A_3] : memref<32x2048xf32, #tpu.memory_space<vmem>>, vector<32x2048xf32>
    %get3A_5 = arith.constant 0 : index
    %get3A_6 = arith.constant 0 : index
    %get3A_7 = arith.constant 0 : index
    %get3A_8 = vector.load %arg0[%get3A_5, %get3A_6, %get3A_7] : memref<4x128x2048xf32, #tpu.memory_space<vmem>>, vector<1x128x2048xf32>
    %get3A_9 = vector.shape_cast %get3A_8 : vector<1x128x2048xf32> to vector<128x2048xf32>
    %reduce_sum3A = arith.constant dense<0.000000e+00> : vector<128xf32>
    %reduce_sum3A_10 = vector.multi_reduction <add>, %get3A_9, %reduce_sum3A [1] : vector<128x2048xf32> to vector<128xf32>
    %broadcast_in_dim3A = vector.shape_cast %reduce_sum3A_10 : vector<128xf32> to vector<128x1xf32>
    %div3A = arith.constant 2.048000e+03 : f32
    %div3A_11 = vector.broadcast %div3A : f32 to vector<128x1xf32>
    %div3A_12 = arith.divf %broadcast_in_dim3A, %div3A_11 : vector<128x1xf32>
    %sub3A = vector.broadcast %div3A_12 : vector<128x1xf32> to vector<128x2048xf32>
    %sub3A_13 = arith.subf %get3A_9, %sub3A : vector<128x2048xf32>
    %dot_general3A = arith.constant dense<0.000000e+00> : vector<128x32xf32>
    %dot_general3A_14 = tpu.matmul %sub3A_13, %get3A_1, %dot_general3A {dimension_numbers = #tpu.dot_dimension_numbers<[1], [1], [0], [0], [0, 0, 1, 0], [], []>, transpose_lhs_hint = false} : vector<128x2048xf32>, vector<32x2048xf32>, vector<128x32xf32> -> vector<128x32xf32>
    %dot_general3A_15 = arith.constant dense<0.000000e+00> : vector<128x32xf32>
    %dot_general3A_16 = tpu.matmul %sub3A_13, %get3A_4, %dot_general3A_15 {dimension_numbers = #tpu.dot_dimension_numbers<[1], [1], [0], [0], [0, 0, 1, 0], [], []>, transpose_lhs_hint = false} : vector<128x2048xf32>, vector<32x2048xf32>, vector<128x32xf32> -> vector<128x32xf32>
    %mul3A = arith.mulf %dot_general3A_14, %dot_general3A_14 : vector<128x32xf32>
    %reduce_sum3A_17 = arith.constant dense<0.000000e+00> : vector<128xf32>
    %reduce_sum3A_18 = vector.multi_reduction <add>, %mul3A, %reduce_sum3A_17 [1] : vector<128x32xf32> to vector<128xf32>
    %broadcast_in_dim3A_19 = vector.shape_cast %reduce_sum3A_18 : vector<128xf32> to vector<128x1xf32>
    %add3A = arith.constant 9.99999997E-7 : f32
    %add3A_20 = vector.broadcast %add3A : f32 to vector<128x1xf32>
    %add3A_21 = arith.addf %broadcast_in_dim3A_19, %add3A_20 : vector<128x1xf32>
    %sqrt3A = math.sqrt %add3A_21 : vector<128x1xf32>
    %div3A_22 = vector.broadcast %sqrt3A : vector<128x1xf32> to vector<128x32xf32>
    %div3A_23 = arith.divf %dot_general3A_14, %div3A_22 : vector<128x32xf32>
    %mul3A_24 = arith.mulf %dot_general3A_16, %dot_general3A_16 : vector<128x32xf32>
    %reduce_sum3A_25 = arith.constant dense<0.000000e+00> : vector<128xf32>
    %reduce_sum3A_26 = vector.multi_reduction <add>, %mul3A_24, %reduce_sum3A_25 [1] : vector<128x32xf32> to vector<128xf32>
    %broadcast_in_dim3A_27 = vector.shape_cast %reduce_sum3A_26 : vector<128xf32> to vector<128x1xf32>
    %add3A_28 = arith.constant 9.99999997E-7 : f32
    %add3A_29 = vector.broadcast %add3A_28 : f32 to vector<128x1xf32>
    %add3A_30 = arith.addf %broadcast_in_dim3A_27, %add3A_29 : vector<128x1xf32>
    %sqrt3A_31 = math.sqrt %add3A_30 : vector<128x1xf32>
    %div3A_32 = vector.broadcast %sqrt3A_31 : vector<128x1xf32> to vector<128x32xf32>
    %div3A_33 = arith.divf %dot_general3A_16, %div3A_32 : vector<128x32xf32>
    %dot_general3A_34 = arith.constant dense<0.000000e+00> : vector<128x128xf32>
    %dot_general3A_35 = tpu.matmul %div3A_23, %div3A_33, %dot_general3A_34 {dimension_numbers = #tpu.dot_dimension_numbers<[1], [1], [0], [0], [0, 0, 1, 0], [], []>, transpose_lhs_hint = false} : vector<128x32xf32>, vector<128x32xf32>, vector<128x128xf32> -> vector<128x128xf32>
    %swap3A = arith.constant 0 : index
    %swap3A_36 = arith.constant 0 : index
    %swap3A_37 = arith.constant 0 : index
    %swap3A_38 = vector.load %arg3[%swap3A, %swap3A_36, %swap3A_37] : memref<4x128x128xf32, #tpu.memory_space<vmem>>, vector<1x128x128xf32>
    %swap3A_39 = vector.shape_cast %swap3A_38 : vector<1x128x128xf32> to vector<128x128xf32>
    %swap3A_40 = vector.shape_cast %dot_general3A_35 : vector<128x128xf32> to vector<1x128x128xf32>
    tpu.vector_store %arg3[%swap3A, %swap3A_36, %swap3A_37], %swap3A_40 {strides = array<i32>} : memref<4x128x128xf32, #tpu.memory_space<vmem>>, vector<1x128x128xf32>,
    %get3A_41 = arith.constant 1 : index
    %get3A_42 = arith.constant 0 : index
    %get3A_43 = arith.constant 0 : index
    %get3A_44 = vector.load %arg0[%get3A_41, %get3A_42, %get3A_43] : memref<4x128x2048xf32, #tpu.memory_space<vmem>>, vector<1x128x2048xf32>
    %get3A_45 = vector.shape_cast %get3A_44 : vector<1x128x2048xf32> to vector<128x2048xf32>
    %reduce_sum3A_46 = arith.constant dense<0.000000e+00> : vector<128xf32>
    %reduce_sum3A_47 = vector.multi_reduction <add>, %get3A_45, %reduce_sum3A_46 [1] : vector<128x2048xf32> to vector<128xf32>
    %broadcast_in_dim3A_48 = vector.shape_cast %reduce_sum3A_47 : vector<128xf32> to vector<128x1xf32>
    %div3A_49 = arith.constant 2.048000e+03 : f32
    %div3A_50 = vector.broadcast %div3A_49 : f32 to vector<128x1xf32>
    %div3A_51 = arith.divf %broadcast_in_dim3A_48, %div3A_50 : vector<128x1xf32>
    %sub3A_52 = vector.broadcast %div3A_51 : vector<128x1xf32> to vector<128x2048xf32>
    %sub3A_53 = arith.subf %get3A_45, %sub3A_52 : vector<128x2048xf32>
    %dot_general3A_54 = arith.constant dense<0.000000e+00> : vector<128x32xf32>
    %dot_general3A_55 = tpu.matmul %sub3A_53, %get3A_1, %dot_general3A_54 {dimension_numbers = #tpu.dot_dimension_numbers<[1], [1], [0], [0], [0, 0, 1, 0], [], []>, transpose_lhs_hint = false} : vector<128x2048xf32>, vector<32x2048xf32>, vector<128x32xf32> -> vector<128x32xf32>
    %dot_general3A_56 = arith.constant dense<0.000000e+00> : vector<128x32xf32>
    %dot_general3A_57 = tpu.matmul %sub3A_53, %get3A_4, %dot_general3A_56 {dimension_numbers = #tpu.dot_dimension_numbers<[1], [1], [0], [0], [0, 0, 1, 0], [], []>, transpose_lhs_hint = false} : vector<128x2048xf32>, vector<32x2048xf32>, vector<128x32xf32> -> vector<128x32xf32>
    %mul3A_58 = arith.mulf %dot_general3A_55, %dot_general3A_55 : vector<128x32xf32>
    %reduce_sum3A_59 = arith.constant dense<0.000000e+00> : vector<128xf32>
    %reduce_sum3A_60 = vector.multi_reduction <add>, %mul3A_58, %reduce_sum3A_59 [1] : vector<128x32xf32> to vector<128xf32>
    %broadcast_in_dim3A_61 = vector.shape_cast %reduce_sum3A_60 : vector<128xf32> to vector<128x1xf32>
    %add3A_62 = arith.constant 9.99999997E-7 : f32
    %add3A_63 = vector.broadcast %add3A_62 : f32 to vector<128x1xf32>
    %add3A_64 = arith.addf %broadcast_in_dim3A_61, %add3A_63 : vector<128x1xf32>
    %sqrt3A_65 = math.sqrt %add3A_64 : vector<128x1xf32>
    %div3A_66 = vector.broadcast %sqrt3A_65 : vector<128x1xf32> to vector<128x32xf32>
    %div3A_67 = arith.divf %dot_general3A_55, %div3A_66 : vector<128x32xf32>
    %mul3A_68 = arith.mulf %dot_general3A_57, %dot_general3A_57 : vector<128x32xf32>
    %reduce_sum3A_69 = arith.constant dense<0.000000e+00> : vector<128xf32>
    %reduce_sum3A_70 = vector.multi_reduction <add>, %mul3A_68, %reduce_sum3A_69 [1] : vector<128x32xf32> to vector<128xf32>
    %broadcast_in_dim3A_71 = vector.shape_cast %reduce_sum3A_70 : vector<128xf32> to vector<128x1xf32>
    %add3A_72 = arith.constant 9.99999997E-7 : f32
    %add3A_73 = vector.broadcast %add3A_72 : f32 to vector<128x1xf32>
    %add3A_74 = arith.addf %broadcast_in_dim3A_71, %add3A_73 : vector<128x1xf32>
    %sqrt3A_75 = math.sqrt %add3A_74 : vector<128x1xf32>
    %div3A_76 = vector.broadcast %sqrt3A_75 : vector<128x1xf32> to vector<128x32xf32>
    %div3A_77 = arith.divf %dot_general3A_57, %div3A_76 : vector<128x32xf32>
    %dot_general3A_78 = arith.constant dense<0.000000e+00> : vector<128x128xf32>
    %dot_general3A_79 = tpu.matmul %div3A_67, %div3A_77, %dot_general3A_78 {dimension_numbers = #tpu.dot_dimension_numbers<[1], [1], [0], [0], [0, 0, 1, 0], [], []>, transpose_lhs_hint = false} : vector<128x32xf32>, vector<128x32xf32>, vector<128x128xf32> -> vector<128x128xf32>
    %swap3A_80 = arith.constant 1 : index
    %swap3A_81 = arith.constant 0 : index
    %swap3A_82 = arith.constant 0 : index
    %swap3A_83 = vector.load %arg3[%swap3A_80, %swap3A_81, %swap3A_82] : memref<4x128x128xf32, #tpu.memory_space<vmem>>, vector<1x128x128xf32>
    %swap3A_84 = vector.shape_cast %swap3A_83 : vector<1x128x128xf32> to vector<128x128xf32>
    %swap3A_85 = vector.shape_cast %dot_general3A_79 : vector<128x128xf32> to vector<1x128x128xf32>
    tpu.vector_store %arg3[%swap3A_80, %swap3A_81, %swap3A_82], %swap3A_85 {strides = array<i32>} : memref<4x128x128xf32, #tpu.memory_space<vmem>>, vector<1x128x128xf32>,
    %add3A_86 = arith.addf %dot_general3A_35, %dot_general3A_79 : vector<128x128xf32>
    %get3A_87 = arith.constant 2 : index
    %get3A_88 = arith.constant 0 : index
    %get3A_89 = arith.constant 0 : index
    %get3A_90 = vector.load %arg0[%get3A_87, %get3A_88, %get3A_89] : memref<4x128x2048xf32, #tpu.memory_space<vmem>>, vector<1x128x2048xf32>
    %get3A_91 = vector.shape_cast %get3A_90 : vector<1x128x2048xf32> to vector<128x2048xf32>
    %reduce_sum3A_92 = arith.constant dense<0.000000e+00> : vector<128xf32>
    %reduce_sum3A_93 = vector.multi_reduction <add>, %get3A_91, %reduce_sum3A_92 [1] : vector<128x2048xf32> to vector<128xf32>
    %broadcast_in_dim3A_94 = vector.shape_cast %reduce_sum3A_93 : vector<128xf32> to vector<128x1xf32>
    %div3A_95 = arith.constant 2.048000e+03 : f32
    %div3A_96 = vector.broadcast %div3A_95 : f32 to vector<128x1xf32>
    %div3A_97 = arith.divf %broadcast_in_dim3A_94, %div3A_96 : vector<128x1xf32>
    %sub3A_98 = vector.broadcast %div3A_97 : vector<128x1xf32> to vector<128x2048xf32>
    %sub3A_99 = arith.subf %get3A_91, %sub3A_98 : vector<128x2048xf32>
    %dot_general3A_100 = arith.constant dense<0.000000e+00> : vector<128x32xf32>
    %dot_general3A_101 = tpu.matmul %sub3A_99, %get3A_1, %dot_general3A_100 {dimension_numbers = #tpu.dot_dimension_numbers<[1], [1], [0], [0], [0, 0, 1, 0], [], []>, transpose_lhs_hint = false} : vector<128x2048xf32>, vector<32x2048xf32>, vector<128x32xf32> -> vector<128x32xf32>
    %dot_general3A_102 = arith.constant dense<0.000000e+00> : vector<128x32xf32>
    %dot_general3A_103 = tpu.matmul %sub3A_99, %get3A_4, %dot_general3A_102 {dimension_numbers = #tpu.dot_dimension_numbers<[1], [1], [0], [0], [0, 0, 1, 0], [], []>, transpose_lhs_hint = false} : vector<128x2048xf32>, vector<32x2048xf32>, vector<128x32xf32> -> vector<128x32xf32>
    %mul3A_104 = arith.mulf %dot_general3A_101, %dot_general3A_101 : vector<128x32xf32>
    %reduce_sum3A_105 = arith.constant dense<0.000000e+00> : vector<128xf32>
    %reduce_sum3A_106 = vector.multi_reduction <add>, %mul3A_104, %reduce_sum3A_105 [1] : vector<128x32xf32> to vector<128xf32>
    %broadcast_in_dim3A_107 = vector.shape_cast %reduce_sum3A_106 : vector<128xf32> to vector<128x1xf32>
    %add3A_108 = arith.constant 9.99999997E-7 : f32
    %add3A_109 = vector.broadcast %add3A_108 : f32 to vector<128x1xf32>
    %add3A_110 = arith.addf %broadcast_in_dim3A_107, %add3A_109 : vector<128x1xf32>
    %sqrt3A_111 = math.sqrt %add3A_110 : vector<128x1xf32>
    %div3A_112 = vector.broadcast %sqrt3A_111 : vector<128x1xf32> to vector<128x32xf32>
    %div3A_113 = arith.divf %dot_general3A_101, %div3A_112 : vector<128x32xf32>
    %mul3A_114 = arith.mulf %dot_general3A_103, %dot_general3A_103 : vector<128x32xf32>
    %reduce_sum3A_115 = arith.constant dense<0.000000e+00> : vector<128xf32>
    %reduce_sum3A_116 = vector.multi_reduction <add>, %mul3A_114, %reduce_sum3A_115 [1] : vector<128x32xf32> to vector<128xf32>
    %broadcast_in_dim3A_117 = vector.shape_cast %reduce_sum3A_116 : vector<128xf32> to vector<128x1xf32>
    %add3A_118 = arith.constant 9.99999997E-7 : f32
    %add3A_119 = vector.broadcast %add3A_118 : f32 to vector<128x1xf32>
    %add3A_120 = arith.addf %broadcast_in_dim3A_117, %add3A_119 : vector<128x1xf32>
    %sqrt3A_121 = math.sqrt %add3A_120 : vector<128x1xf32>
    %div3A_122 = vector.broadcast %sqrt3A_121 : vector<128x1xf32> to vector<128x32xf32>
    %div3A_123 = arith.divf %dot_general3A_103, %div3A_122 : vector<128x32xf32>
    %dot_general3A_124 = arith.constant dense<0.000000e+00> : vector<128x128xf32>
    %dot_general3A_125 = tpu.matmul %div3A_113, %div3A_123, %dot_general3A_124 {dimension_numbers = #tpu.dot_dimension_numbers<[1], [1], [0], [0], [0, 0, 1, 0], [], []>, transpose_lhs_hint = false} : vector<128x32xf32>, vector<128x32xf32>, vector<128x128xf32> -> vector<128x128xf32>
    %swap3A_126 = arith.constant 2 : index
    %swap3A_127 = arith.constant 0 : index
    %swap3A_128 = arith.constant 0 : index
    %swap3A_129 = vector.load %arg3[%swap3A_126, %swap3A_127, %swap3A_128] : memref<4x128x128xf32, #tpu.memory_space<vmem>>, vector<1x128x128xf32>
    %swap3A_130 = vector.shape_cast %swap3A_129 : vector<1x128x128xf32> to vector<128x128xf32>
    %swap3A_131 = vector.shape_cast %dot_general3A_125 : vector<128x128xf32> to vector<1x128x128xf32>
    tpu.vector_store %arg3[%swap3A_126, %swap3A_127, %swap3A_128], %swap3A_131 {strides = array<i32>} : memref<4x128x128xf32, #tpu.memory_space<vmem>>, vector<1x128x128xf32>,
    %add3A_132 = arith.addf %add3A_86, %dot_general3A_125 : vector<128x128xf32>
    %get3A_133 = arith.constant 3 : index
    %get3A_134 = arith.constant 0 : index
    %get3A_135 = arith.constant 0 : index
    %get3A_136 = vector.load %arg0[%get3A_133, %get3A_134, %get3A_135] : memref<4x128x2048xf32, #tpu.memory_space<vmem>>, vector<1x128x2048xf32>
    %get3A_137 = vector.shape_cast %get3A_136 : vector<1x128x2048xf32> to vector<128x2048xf32>
    %reduce_sum3A_138 = arith.constant dense<0.000000e+00> : vector<128xf32>
    %reduce_sum3A_139 = vector.multi_reduction <add>, %get3A_137, %reduce_sum3A_138 [1] : vector<128x2048xf32> to vector<128xf32>
    %broadcast_in_dim3A_140 = vector.shape_cast %reduce_sum3A_139 : vector<128xf32> to vector<128x1xf32>
    %div3A_141 = arith.constant 2.048000e+03 : f32
    %div3A_142 = vector.broadcast %div3A_141 : f32 to vector<128x1xf32>
    %div3A_143 = arith.divf %broadcast_in_dim3A_140, %div3A_142 : vector<128x1xf32>
    %sub3A_144 = vector.broadcast %div3A_143 : vector<128x1xf32> to vector<128x2048xf32>
    %sub3A_145 = arith.subf %get3A_137, %sub3A_144 : vector<128x2048xf32>
    %dot_general3A_146 = arith.constant dense<0.000000e+00> : vector<128x32xf32>
    %dot_general3A_147 = tpu.matmul %sub3A_145, %get3A_1, %dot_general3A_146 {dimension_numbers = #tpu.dot_dimension_numbers<[1], [1], [0], [0], [0, 0, 1, 0], [], []>, transpose_lhs_hint = false} : vector<128x2048xf32>, vector<32x2048xf32>, vector<128x32xf32> -> vector<128x32xf32>
    %dot_general3A_148 = arith.constant dense<0.000000e+00> : vector<128x32xf32>
    %dot_general3A_149 = tpu.matmul %sub3A_145, %get3A_4, %dot_general3A_148 {dimension_numbers = #tpu.dot_dimension_numbers<[1], [1], [0], [0], [0, 0, 1, 0], [], []>, transpose_lhs_hint = false} : vector<128x2048xf32>, vector<32x2048xf32>, vector<128x32xf32> -> vector<128x32xf32>
    %mul3A_150 = arith.mulf %dot_general3A_147, %dot_general3A_147 : vector<128x32xf32>
    %reduce_sum3A_151 = arith.constant dense<0.000000e+00> : vector<128xf32>
    %reduce_sum3A_152 = vector.multi_reduction <add>, %mul3A_150, %reduce_sum3A_151 [1] : vector<128x32xf32> to vector<128xf32>
    %broadcast_in_dim3A_153 = vector.shape_cast %reduce_sum3A_152 : vector<128xf32> to vector<128x1xf32>
    %add3A_154 = arith.constant 9.99999997E-7 : f32
    %add3A_155 = vector.broadcast %add3A_154 : f32 to vector<128x1xf32>
    %add3A_156 = arith.addf %broadcast_in_dim3A_153, %add3A_155 : vector<128x1xf32>
    %sqrt3A_157 = math.sqrt %add3A_156 : vector<128x1xf32>
    %div3A_158 = vector.broadcast %sqrt3A_157 : vector<128x1xf32> to vector<128x32xf32>
    %div3A_159 = arith.divf %dot_general3A_147, %div3A_158 : vector<128x32xf32>
    %mul3A_160 = arith.mulf %dot_general3A_149, %dot_general3A_149 : vector<128x32xf32>
    %reduce_sum3A_161 = arith.constant dense<0.000000e+00> : vector<128xf32>
    %reduce_sum3A_162 = vector.multi_reduction <add>, %mul3A_160, %reduce_sum3A_161 [1] : vector<128x32xf32> to vector<128xf32>
    %broadcast_in_dim3A_163 = vector.shape_cast %reduce_sum3A_162 : vector<128xf32> to vector<128x1xf32>
    %add3A_164 = arith.constant 9.99999997E-7 : f32
    %add3A_165 = vector.broadcast %add3A_164 : f32 to vector<128x1xf32>
    %add3A_166 = arith.addf %broadcast_in_dim3A_163, %add3A_165 : vector<128x1xf32>
    %sqrt3A_167 = math.sqrt %add3A_166 : vector<128x1xf32>
    %div3A_168 = vector.broadcast %sqrt3A_167 : vector<128x1xf32> to vector<128x32xf32>
    %div3A_169 = arith.divf %dot_general3A_149, %div3A_168 : vector<128x32xf32>
    %dot_general3A_170 = arith.constant dense<0.000000e+00> : vector<128x128xf32>
    %dot_general3A_171 = tpu.matmul %div3A_159, %div3A_169, %dot_general3A_170 {dimension_numbers = #tpu.dot_dimension_numbers<[1], [1], [0], [0], [0, 0, 1, 0], [], []>, transpose_lhs_hint = false} : vector<128x32xf32>, vector<128x32xf32>, vector<128x128xf32> -> vector<128x128xf32>
    %swap3A_172 = arith.constant 3 : index
    %swap3A_173 = arith.constant 0 : index
    %swap3A_174 = arith.constant 0 : index
    %swap3A_175 = vector.load %arg3[%swap3A_172, %swap3A_173, %swap3A_174] : memref<4x128x128xf32, #tpu.memory_space<vmem>>, vector<1x128x128xf32>
    %swap3A_176 = vector.shape_cast %swap3A_175 : vector<1x128x128xf32> to vector<128x128xf32>
    %swap3A_177 = vector.shape_cast %dot_general3A_171 : vector<128x128xf32> to vector<1x128x128xf32>
    tpu.vector_store %arg3[%swap3A_172, %swap3A_173, %swap3A_174], %swap3A_177 {strides = array<i32>} : memref<4x128x128xf32, #tpu.memory_space<vmem>>, vector<1x128x128xf32>,
    %add3A_178 = arith.addf %add3A_132, %dot_general3A_171 : vector<128x128xf32>
    %mul3A_179 = arith.constant 2.500000e-01 : f32
    %mul3A_180 = vector.broadcast %mul3A_179 : f32 to vector<128x128xf32>
    %mul3A_181 = arith.mulf %add3A_178, %mul3A_180 : vector<128x128xf32>
    %swap3A_182 = arith.constant 0 : index
    %swap3A_183 = arith.constant 0 : index
    %swap3A_184 = vector.load %arg4[%swap3A_182, %swap3A_183] : memref<128x128xf32, #tpu.memory_space<vmem>>, vector<128x128xf32>
    tpu.vector_store %arg4[%swap3A_182, %swap3A_183], %mul3A_181 {strides = array<i32>} : memref<128x128xf32, #tpu.memory_space<vmem>>, vector<128x128xf32>,
    return
  }
}

module attributes {stable_mosaic.version = 14 : i64} {
  func.func @_conv_fuse_body(%arg0: i32, %arg1: memref<1024x2048xf32, #tpu.memory_space<vmem>>, %arg2: memref<16x2048xf32, #tpu.memory_space<vmem>>, %arg3: memref<1024x16xf32, #tpu.memory_space<vmem>>) attributes {dimension_semantics = [#tpu.dimension_semantics<arbitrary>], iteration_bounds = array<i64: 8>, scalar_prefetch = 0 : i64, scratch_operands = 0 : i64, tpu.core_type = #tpu.core_type<tc>, window_params = [{transform_indices = @transform_0, window_bounds = array<i64: 1024, 2048>}, {pipeline_mode = #tpu.pipeline_mode<synchronous>, transform_indices = @transform_1, window_bounds = array<i64: 16, 2048>}, {transform_indices = @transform_2, window_bounds = array<i64: 1024, 16>}]} {
    %get3A = arith.constant 0 : index
    %get3A_0 = arith.constant 0 : index
    %get3A_1 = vector.load %arg1[%get3A, %get3A_0] : memref<1024x2048xf32, #tpu.memory_space<vmem>>, vector<1024x2048xf32>
    %get3A_2 = arith.constant 0 : index
    %get3A_3 = arith.constant 0 : index
    %get3A_4 = vector.load %arg2[%get3A_2, %get3A_3] : memref<16x2048xf32, #tpu.memory_space<vmem>>, vector<16x2048xf32>
    %dot_general3A = arith.constant dense<0.000000e+00> : vector<1024x16xf32>
    %dot_general3A_5 = tpu.matmul %get3A_1, %get3A_4, %dot_general3A {dimension_numbers = #tpu.dot_dimension_numbers<[1], [1], [0], [0], [0, 0, 1, 0], [], []>, transpose_lhs_hint = false} : vector<1024x2048xf32>, vector<16x2048xf32>, vector<1024x16xf32> -> vector<1024x16xf32>
    %swap3A = arith.constant 0 : index
    %swap3A_6 = arith.constant 0 : index
    %swap3A_7 = vector.load %arg3[%swap3A, %swap3A_6] : memref<1024x16xf32, #tpu.memory_space<vmem>>, vector<1024x16xf32>
    tpu.vector_store %arg3[%swap3A, %swap3A_6], %dot_general3A_5 {strides = array<i32>} : memref<1024x16xf32, #tpu.memory_space<vmem>>, vector<1024x16xf32>,
    return
  }
  func.func @transform_0(%arg0: i32) -> (i32, i32) {
    %c0_i32 = arith.constant 0 : i32
    %c0_i32_0 = arith.constant 0 : i32
    return %arg0, %c0_i32 : i32, i32
  }
  func.func @transform_1(%arg0: i32) -> (i32, i32) {
    %c0_i32 = arith.constant 0 : i32
    %c0_i32_0 = arith.constant 0 : i32
    %c0_i32_1 = arith.constant 0 : i32
    return %c0_i32, %c0_i32_0 : i32, i32
  }
  func.func @transform_2(%arg0: i32) -> (i32, i32) {
    %c0_i32 = arith.constant 0 : i32
    %c0_i32_0 = arith.constant 0 : i32
    return %arg0, %c0_i32 : i32, i32
  }
}

module attributes {stable_mosaic.version = 14 : i64} {
  func.func @_proj_body(%arg0: memref<512x256xf32, #tpu.memory_space<vmem>>, %arg1: memref<256x128xf32, #tpu.memory_space<vmem>>, %arg2: memref<1xf32, #tpu.memory_space<smem>>, %arg3: memref<512x128xf32, #tpu.memory_space<vmem>>) attributes {dimension_semantics = [], scalar_prefetch = 0 : i64, scratch_operands = 0 : i64, tpu.core_type = #tpu.core_type<tc>} {
    %get3A = arith.constant 0 : index
    %get3A_0 = arith.constant 0 : index
    %get3A_1 = vector.load %arg0[%get3A, %get3A_0] : memref<512x256xf32, #tpu.memory_space<vmem>>, vector<512x256xf32>
    %get3A_2 = arith.constant 0 : index
    %get3A_3 = arith.constant 0 : index
    %get3A_4 = vector.load %arg1[%get3A_2, %get3A_3] : memref<256x128xf32, #tpu.memory_space<vmem>>, vector<256x128xf32>
    %dot_general3A = arith.constant dense<0.000000e+00> : vector<512x128xf32>
    %dot_general3A_5 = tpu.matmul %get3A_1, %get3A_4, %dot_general3A {dimension_numbers = #tpu.dot_dimension_numbers<[1], [0], [0], [1], [0, 0, 1, 1], [], []>, transpose_lhs_hint = false} : vector<512x256xf32>, vector<256x128xf32>, vector<512x128xf32> -> vector<512x128xf32>
    %get3A_6 = arith.constant 0 : index
    %get3A_7 = memref.load %arg2[%get3A_6] : memref<1xf32, #tpu.memory_space<smem>>
    %add3A = vector.broadcast %get3A_7 : f32 to vector<512x128xf32>
    %add3A_8 = arith.addf %dot_general3A_5, %add3A : vector<512x128xf32>
    %integer_pow3A = arith.mulf %add3A_8, %add3A_8 : vector<512x128xf32>
    %integer_pow3A_9 = arith.mulf %add3A_8, %integer_pow3A : vector<512x128xf32>
    %mul3A = arith.constant 4.471500e-02 : f32
    %mul3A_10 = vector.broadcast %mul3A : f32 to vector<512x128xf32>
    %mul3A_11 = arith.mulf %mul3A_10, %integer_pow3A_9 : vector<512x128xf32>
    %add3A_12 = arith.addf %add3A_8, %mul3A_11 : vector<512x128xf32>
    %mul3A_13 = arith.constant 0.797884583 : f32
    %mul3A_14 = vector.broadcast %mul3A_13 : f32 to vector<512x128xf32>
    %mul3A_15 = arith.mulf %mul3A_14, %add3A_12 : vector<512x128xf32>
    %tanh3A = math.tanh %mul3A_15 : vector<512x128xf32>
    %add3A_16 = arith.constant 1.000000e+00 : f32
    %add3A_17 = vector.broadcast %add3A_16 : f32 to vector<512x128xf32>
    %add3A_18 = arith.addf %add3A_17, %tanh3A : vector<512x128xf32>
    %mul3A_19 = arith.constant 5.000000e-01 : f32
    %mul3A_20 = vector.broadcast %mul3A_19 : f32 to vector<512x128xf32>
    %mul3A_21 = arith.mulf %mul3A_20, %add3A_18 : vector<512x128xf32>
    %mul3A_22 = arith.mulf %add3A_8, %mul3A_21 : vector<512x128xf32>
    %swap3A = arith.constant 0 : index
    %swap3A_23 = arith.constant 0 : index
    %swap3A_24 = vector.load %arg3[%swap3A, %swap3A_23] : memref<512x128xf32, #tpu.memory_space<vmem>>, vector<512x128xf32>
    tpu.vector_store %arg3[%swap3A, %swap3A_23], %mul3A_22 {strides = array<i32>} : memref<512x128xf32, #tpu.memory_space<vmem>>, vector<512x128xf32>,
    return
  }
}

</mosaic_0001>

<sc_bundles>
// kernel: kernel.6.cloned.1.call-start
scs
__scs_entry_jumppad:
0x0: {  	(pc) =	sbr.rel $0x88, $3  }
0x1: {  	(tag) =	ssettag $0x0;
	lr =	simm.s32 $0x1  }
0x2: {  	[smem:$0x3F9A] =	sst lr;
	_ =	strace $0xD0000000  }
0x3: {  	_ = 	snop  }
0x4: {  	_ = 	snop  }
0x5: {  	_ = 	snop  }
0x6: {  	_ = 	snop  }
0x7: {  	_ = 	snop  }
__scs_overlays_trampoline_lowered:
0x8: {  	[smem:$0x3FA9] =	sst s0  }
0x9: {  	[smem:$0x3FAA] =	sst s1  }
0xa: {  	[smem:$0x3FAB] =	sst s2  }
0xb: {  	[smem:$0x3FAC] =	sst s3  }
0xc: {  	[smem:$0x3FAD] =	sst s4  }
0xd: {  	[smem:$0x3FAE] =	sst s5  }
0xe: {  	[smem:$0x3FAF] =	sst s6  }
0xf: {  	[smem:$0x3FB0] =	sst s7  }
0x10: {  	[smem:$0x3FB1] =	sst s8  }
0x11: {  	[smem:$0x3FB2] =	sst s9;
	s0 =	simm.s32 @!p0 $0x0  }
0x12: {  	s1 =	sld [smem:$0x3F98];
	s0 =	simm.s32 @p0 $0x1  }
0x13: {  	[smem:$0x3FB3] =	sst s0;
	s0 =	simm.s32 @!p1 $0x0  }
0x14: {  	s2 =	sld [smem:$0x3F97];
	s0 =	simm.s32 @p1 $0x1  }
0x15: {  	[smem:$0x3FB4] =	sst s0;
	s0 =	simm.s32 @!p2 $0x0  }
0x16: {  	s3 =	sld [smem:$0x3FDB];
	s0 =	simm.s32 @p2 $0x1  }
0x17: {  	s4 =	simm.s32 $0x1BF5;
	[smem:$0x3FB6] =	sst s0  }
0x18: {  	s0 =	sld [smem:$0x3F99];
	_ =	swait.ge [sflag:s4], $0x0  }
0x19: {  	s7 =	sld [smem:$0x3F9A]  }
0x1a: {  	s8 =	sadd.s32 $0xFFFFE003, lr  }
0x1b: {  	s9 =	sadd.s32 $0xFFFFFEF7, lr;
	s5 =	simm.s32 $0xFFFFFFFF;
	p2 =	slt.u32 s8, $0xFFFFF086  }
0x1c: {  	p1 =	slt.u32 s9, $0xF7A;
	s5 =	simm.s32 @!p2 $0x0  }
0x1d: {  	s5 =	simm.s32 @p1 $0x1;
	p0 =	seq.s32 s7, s2  }
0x1e: {  	s7 =	smul.u32 @!p0 $0xF7A, s2;
	p2 =	seq.s32 @!p0 s5, $0x0  }
0x1f: {  	s9 =	smul.u32 $0xF7A, s1;
	s8 =	simm.s32 @!p0 $0x1BF5;
	p2 =	por !p2, p0  }
0x20: {  	[sflag:s8] =	ssyncset.s32 @!p0 $0xFFFFF086;
	s6 =	sadd.s32 @!p0 s3, s7;
	s7 =	simm.s32 @!p0 $0x108  }
0x21: {  	s3 =	sadd.s32 s3, s9;
	s6 =	sadd.s32 @!p0 $0x88, s6;
	s7 =	simm.s32 @p2 $0x1082  }
0x22: {  	[simem:s7], [sflag:s8] =	dma.local @!p0 [hbm:s6], $0xF7A  }
0x23: {  	s9 =	sor.u32 $0xD0000000, s2;
	s6 =	simm.s32 $0x108;
	_ =	swait.ge @!p0 [sflag:s8], $0x0  }
0x24: {  	s3 =	sadd.s32 $0x88, s3;
	s6 =	simm.s32 @!p1 $0x1082;
	[sflag:s4] =	ssyncset.s32 $0xFFFFF086  }
0x25: {  	[simem:s6], [sflag:s4] =	dma.local [hbm:s3], $0xF7A  }
0x26: {  	[smem:$0x3F9A] =	sst s1;
	(tag) =	ssettag s2;
	_ =	strace s9  }
0x27: {  	s1 =	sld [smem:$0x3FAA]  }
0x28: {  	s2 =	sld [smem:$0x3FAB]  }
0x29: {  	s4 =	sld [smem:$0x3FAD]  }
0x2a: {  	p0 =	seq.s32 s5, $0x0;
	s5 =	sld [smem:$0x3FAE]  }
0x2b: {  	s6 =	sld [smem:$0x3FAF]  }
0x2c: {  	s7 =	sld [smem:$0x3FB0]  }
0x2d: {  	s3 =	simm.s32 $0x108;
	s8 =	sld [smem:$0x3FB1]  }
0x2e: {  	s3 =	simm.s32 @!p0 $0x1082;
	s9 =	sld [smem:$0x3FB2]  }
0x2f: {  	lr =	sadd.s32 s0, s3;
	s0 =	sld [smem:$0x3FA9]  }
0x30: {  	s3 =	sld [smem:$0x3FAC]  }
0x31: {  	[smem:$0x3FB5] =	sst s10  }
0x32: {  	s10 =	sld [smem:$0x3FB3];
	_ =	sdelay $0x3  }
0x33: {  	p0 =	seq.s32 s10, $0x1;
	s10 =	sld [smem:$0x3FB5];
	_ =	sdelay $0x3  }
0x34: {  	[smem:$0x3FB5] =	sst s10  }
0x35: {  	s10 =	sld [smem:$0x3FB4];
	_ =	sdelay $0x3  }
0x36: {  	p1 =	seq.s32 s10, $0x1;
	s10 =	sld [smem:$0x3FB5];
	_ =	sdelay $0x3  }
0x37: {  	[smem:$0x3FB5] =	sst s10  }
0x38: {  	s10 =	sld [smem:$0x3FB6]  }
0x39: {  	_ = 	snop;
	(pc) =	sbr.ind lr, $3  }
0x3a: {  	_ = 	snop  }
0x3b: {  	_ = 	snop  }
0x3c: {  	p2 =	seq.s32 s10, $0x1;
	s10 =	sld [smem:$0x3FB5]  }
0x3d: {  	_ =	shalt  }
0x3e: {  	_ =	shalt  }
0x3f: {  	_ =	shalt  }
0x40: {  	_ =	shalt  }
0x41: {  	_ =	shalt  }
0x42: {  	_ =	shalt  }
0x43: {  	_ =	shalt  }
0x44: {  	_ =	shalt  }
0x45: {  	_ =	shalt  }
0x46: {  	_ =	shalt  }
0x47: {  	_ =	shalt  }
0x48: {  	_ =	shalt  }
0x49: {  	_ =	shalt  }
0x4a: {  	_ =	shalt  }
0x4b: {  	_ =	shalt  }
0x4c: {  	_ =	shalt  }
0x4d: {  	_ =	shalt  }
0x4e: {  	_ =	shalt  }
0x4f: {  	_ =	shalt  }
0x50: {  	_ =	shalt  }
0x51: {  	_ =	shalt  }
0x52: {  	_ =	shalt  }
0x53: {  	_ =	shalt  }
0x54: {  	_ =	shalt  }
0x55: {  	_ =	shalt  }
0x56: {  	_ =	shalt  }
0x57: {  	_ =	shalt  }
0x58: {  	_ =	shalt  }
0x59: {  	_ =	shalt  }
0x5a: {  	_ =	shalt  }
0x5b: {  	_ =	shalt  }
0x5c: {  	_ =	shalt  }
0x5d: {  	_ =	shalt  }
0x5e: {  	_ =	shalt  }
0x5f: {  	_ =	shalt  }
0x60: {  	_ =	shalt  }
0x61: {  	_ =	shalt  }
0x62: {  	_ =	shalt  }
0x63: {  	_ =	shalt  }
0x64: {  	_ =	shalt  }
0x65: {  	_ =	shalt  }
0x66: {  	_ =	shalt  }
0x67: {  	_ =	shalt  }
0x68: {  	_ =	shalt  }
0x69: {  	_ =	shalt  }
0x6a: {  	_ =	shalt  }
0x6b: {  	_ =	shalt  }
0x6c: {  	_ =	shalt  }
0x6d: {  	_ =	shalt  }
0x6e: {  	_ =	shalt  }
0x6f: {  	_ =	shalt  }
0x70: {  	_ =	shalt  }
0x71: {  	_ =	shalt  }
0x72: {  	_ =	shalt  }
0x73: {  	_ =	shalt  }
0x74: {  	_ =	shalt  }
0x75: {  	_ =	shalt  }
0x76: {  	_ =	shalt  }
0x77: {  	_ =	shalt  }
0x78: {  	_ =	shalt  }
0x79: {  	_ =	shalt  }
0x7a: {  	_ =	shalt  }
0x7b: {  	_ =	shalt  }
0x7c: {  	_ =	shalt  }
0x7d: {  	_ =	shalt  }
0x7e: {  	_ =	shalt  }
0x7f: {  	_ =	shalt  }
0x80: {  	_ =	shalt  }
0x81: {  	_ =	shalt  }
0x82: {  	_ =	shalt  }
0x83: {  	_ =	shalt  }
0x84: {  	_ =	shalt  }
0x85: {  	_ =	shalt  }
0x86: {  	_ =	shalt  }
0x87: {  	_ =	shalt  }
.Lfunc_end0:
.L_simem_size_0:
called_computation_lowered:
.L_overlay_start_0:
0x88: {  	s0 =	sld [smem:$0x3FD9]  }
0x89: {  	s1 =	sld [smem:$0x3FFE];
	_ =	sdelay $0x3  }
0x8a: {  	s0 =	sadd.s32 s1, s0  }
0x8b: {  	[smem:$0x3FC1] =	sst s0  }
0x8c: {  	_ = 	snop  }
0x8d: {  	s0 =	sld [smem:$0x3FD0];
	_ =	sdelay $0x2  }
0x8e: {  	s13 =	simm.s32 $0xA;
	s2 =	simm.s32 $0x10  }
0x8f: {  	[smem:s2], [sflag:s13] =	dma.local [hbm:s0], $0x1  }
0x90: {  	_ =	swait.eq [sflag:s13], $0x1  }
0x91: {  	[sflag:s13] =	ssyncset.done $0x0  }
0x92: {  	[sflag:s13] =	ssyncadd.s32 $0xFFFFFFFF  }
0x93: {  	s14 =	sld [smem:$0x11];
	(tm) =	ssettm $0x1  }
0x94: {  	s15 =	sld [smem:$0x3FFB];
	_ =	sdelay $0x3  }
0x95: {  	_ =	strace s15  }
0x96: {  	s1 =	sld [smem:$0x3FFC];
	_ =	sdelay $0x3  }
0x97: {  	_ =	strace s1  }
0x98: {  	s1 =	sld [smem:$0x3FFD];
	_ =	sdelay $0x3  }
0x99: {  	_ =	strace s1  }
0x9a: {  	_ =	strace $0x8FFFFFFF  }
0x9b: {  	s16 =	sld [smem:$0x3FDB];
	_ =	sdelay $0x1  }
0x9c: {  	s17 =	simm.s32 $_scs_section_size  }
0x9d: {  	s3 =	simm.s32 $_size__tile_overlayer_lowered;
	s4 =	simm.s32 $_tile_overlayer_lowered  }
0x9e: {  	s20 =	simm.s32 $0x1BFF;
	s19 =	sshll.u32 s4, $0x1;
	s1 =	sadd.s32 s17, s16  }
0x9f: {  	s5 =	simm.s32 $0x0;
	s18 =	sshll.u32 s3, $0x1;
	s3 =	sadd.s32 s19, s1  }
0xa0: {  	[timem:s5], [sflag:s20] =	dma.local [hbm:s3], s18  }
0xa1: {  	_ =	swait.ge [sflag:s20], s18  }
0xa2: {  	s2 =	ssub.s32 $0x0, s18;
	[sflag:s20] =	ssyncset.done $0x0  }
0xa3: {  	[sflag:s20] =	ssyncadd.s32 s2;
	_ =	sdelay $0x1  }
0xa4: {  	s21 =	simm.s32 $0x1B8B  }
0xa5: {  	_ =	swait.ge [sflag:s21], $0x1  }
0xa6: {  	[sflag:s21] =	ssyncset.done $0x0  }
0xa7: {  	s23 =	simm.s32 $0x1B8E;
	s22 =	sld [smem:$0x3FFE];
	[sflag:s21] =	ssyncadd.s32 $0xFFFFFFFF  }
0xa8: {  	s24 =	simm.s32 $execute0_lowered;
	[smem:$0x3FD2] =	sst s23  }
0xa9: {  	s3 =	sshll.u32 s24, $0x1;
	_ =	strace $0x80000046;
	[dreg:$0x1] =	wrdreg $0xFFFFFFFF  }
0xaa: {  	s25 =	simm.s32 $_size_execute0_lowered;
	s1 =	sadd.s32 s1, s3;
	[dreg:$0x0] =	wrdreg $0x0  }
0xab: {  	s3 =	sshll.u32 s25, $0x1;
	[dreg:$0x2] =	wrdreg s1  }
0xac: {  	[dreg:$0x3] =	wrdreg s3  }
0xad: {  	[dreg:$0x4] =	wrdreg $0xC0  }
0xae: {  	_ =	task [dreg:s5], $0x5FFFF  }
0xaf: {  	[dreg:$0x1] =	wrdreg $0xFFFFFFFF  }
0xb0: {  	[dreg:$0x0] =	wrdreg $0x60  }
0xb1: {  	[dreg:$0x2] =	wrdreg s22  }
0xb2: {  	[dreg:$0x3] =	wrdreg s14  }
0xb3: {  	[dreg:$0x4] =	wrdreg $0x9  }
0xb4: {  	_ =	task.clear_ibuf [dreg:s5], $0x5FFFF;
	_ =	strace $0x90000046  }
0xb5: {  	s26 =	simm.s32 $0x9;
	_ =	strace $0x80000048  }
0xb6: {  	_ =	swait.ge [sflag:s26], $0x1  }
0xb7: {  	[sflag:s26] =	ssyncadd.s32 $0xFFFFFFFF  }
0xb8: {  	_ =	strace $0x90000048  }
0xb9: {  	_ =	sfence  }
0xba: {  	s28 =	sld [smem:$0x0];
	_ =	sdelay $0x1  }
0xbb: {  	s29 =	srdreg.scid  }
0xbc: {  	s30 =	sshll.u32 s29, $0xD;
	s31 =	sshrl.u32 s29, $0x2  }
0xbd: {  	s2 =	sand.u32 $0x4000, s30;
	s1 =	sand.u32 $0x1, s29;
	s0 =	sadd.s32 s31, s28  }
0xbe: {  	s1 =	sor.u32 s2, s1;
	s0 =	sshll.u32 s0, $0x11  }
0xbf: {  	s0 =	sor.u32 s0, s1  }
0xc0: {  	s0 =	sadd.s32 $0x8F2B, s0  }
0xc1: {  	[sflag:s0] =	ssyncadd.remote.s32 $0x1  }
0xc2: {  	_ =	sfence.sel $0xFFFF  }
0xc3: {  	[dreg:$0x0] =	wrdreg $0xFFFFFFFF;
	(pc) =	sbr.abs _section_cstart, $3  }
0xc4: {  	[dreg:$0x1] =	wrdreg $0xFFFFFFFF  }
0xc5: {  	_ =	task.clear_ibuf [dreg:s5], $0x2FFFF;
	_ =	strace $0x9FFFFFFF  }
0xc6: {  	(tm) =	ssettm $0x7FFFFFFF  }
0xc7: {  	_ =	shalt  }
tec
execute0_lowered:
.L_overlay_start_1:
0x0: {  	(tag) =	ssettag $0x1  }
0x1: {  	s4 =	rddreg [dreg:$0x0]  }
0x2: {  	s2 =	rddreg [dreg:$0x1];
	s1 =	stileid.u32  }
0x3: {  	s0 =	rddreg [dreg:$0x2];
	s5 =	simm.s32 $0x0;
	s3 =	sshll.u32 s1, $0x9  }
0x4: {  	[smem:$0x7FF] =	sst s5;
	s4 =	sadd.s32 s3, s4  }
0x5: {  	s31 =	simm.s32 $0x1;
	_ =	strace $0x80000047;
	s4 =	sadd.s32 $0x1600, s4  }
0x6: {  	[tilespmem:s5], [sflag:$0x1] =	stream.linear.gather [hbm4b:s4+s5], $0x1000, $0x38;
	[tilespmem:$0x2000] =	vst v63  }
0x7: {  	_ =	swait.ge [sflag:s31], $0x1000  }
0x8: {  	[sflag:s31] =	ssyncset.done $0x0  }
0x9: {  	s4 =	simm.s32 $0x0;
	[sflag:s31] =	ssyncadd.s32 $0xFFFFF000  }
0xa: {  	v1 =	vld [tilespmem:s4+$0x70]  }
0xb: {  	v5 =	vld [tilespmem:s4+$0x50]  }
0xc: {  	v4 =	vld [tilespmem:s4+$0x60]  }
0xd: {  	v12 =	vld [tilespmem:s4+$0x20]  }
0xe: {  	v8 =	vld [tilespmem:s4+$0x40]  }
0xf: {  	v9 =	vld [tilespmem:s4+$0x30];
	(xrf1) =	vsort.ascd.msk.f32 $0xffff, v1, v1  }
0x10: {  	(xrf1) =	vsort.ascd.msk.f32 $0xffff, v5, v5  }
0x11: {  	(xrf1) =	vsort.ascd.msk.f32 $0xffff, v4, v4  }
0x12: {  	(xrf1) =	vsort.ascd.msk.f32 $0xffff, v12, v12  }
0x13: {  	v20 =	vld [tilespmem:s4+$0x10];
	(xrf1) =	vsort.ascd.msk.f32 $0xffff, v8, v8  }
0x14: {  	v21 =	vld [tilespmem:s4+$0x0];
	(xrf1) =	vsort.ascd.msk.f32 $0xffff, v9, v9;
	_ =	sdelay $0x3  }
0x15: {  	(xrf1) =	vsort.ascd.msk.f32 $0xffff, v20, v20  }
0x16: {  	(xrf1) =	vsort.ascd.msk.f32 $0xffff, v21, v21;
	_ =	sdelay $0x3  }
0x17: {  	v0 =	vlaneseq.u32;
	v2, _, _ =	vpop (xrf1)  }
0x18: {  	v0 =	vmul.u32 $0xFFFFFFFF, v0;
	v3, _, _ =	vpop (xrf1)  }
0x19: {  	v6, _, _ =	vpop (xrf1)  }
0x1a: {  	v0 =	vadd.s32 $0xF, v0;
	v7, _, _ =	vpop (xrf1)  }
0x1b: {  	v2 =	vperm.xlane v2, v0;
	v10, _, _ =	vpop (xrf1)  }
0x1c: {  	v3 =	vperm.xlane v3, v0;
	v13, _, _ =	vpop (xrf1)  }
0x1d: {  	v11 =	vmin.f32 v6, v2;
	v2 =	vmax.f32 v6, v2;
	v6 =	vperm.xlane v13, v0  }
0x1e: {  	(xrf1) =	vsort.ascd.msk.f32 $0xffff, v11, v11  }
0x1f: {  	(xrf1) =	vsort.ascd.msk.f32 $0xffff, v2, v2;
	v2 =	vmax.f32 v10, v3  }
0x20: {  	v11, _, _ =	vpop (xrf1);
	(xrf1) =	vsort.ascd.msk.f32 $0xffff, v2, v2;
	v13 =	vmin.f32 v7, v6  }
0x21: {  	v11 =	vperm.xlane v11, v0;
	v2 =	vmax.f32 v7, v6;
	v6, _, _ =	vpop (xrf1);
	(xrf1) =	vsort.ascd.msk.f32 $0xffff, v13, v13  }
0x22: {  	(xrf1) =	vsort.ascd.msk.f32 $0xffff, v2, v2  }
0x23: {  	v7 =	vmin.f32 v6, v11  }
0x24: {  	v2 =	vmin.f32 v10, v3;
	(xrf1) =	vsort.ascd.msk.f32 $0xffff, v7, v7  }
0x25: {  	(xrf1) =	vsort.ascd.msk.f32 $0xffff, v2, v2  }
0x26: {  	v2 =	vmax.f32 v6, v11  }
0x27: {  	(xrf1) =	vsort.ascd.msk.f32 $0xffff, v2, v2;
	_ =	sdelay $0x2  }
0x28: {  	s5 =	simm.s32 $0x80  }
0x29: {  	v2 =	vld [tilespmem:s5+$0x70]  }
0x2a: {  	v13 =	vld [tilespmem:s5+$0x50];
	v6, _, _ =	vpop (xrf1)  }
0x2b: {  	v3 =	vld [tilespmem:s5+$0x60];
	v10, _, _ =	vpop (xrf1)  }
0x2c: {  	v11 =	vld [tilespmem:s5+$0x20];
	v15, _, _ =	vpop (xrf1)  }
0x2d: {  	v7 =	vld [tilespmem:s5+$0x40];
	v16, _, _ =	vpop (xrf1)  }
0x2e: {  	v14 =	vld [tilespmem:s5+$0x30];
	(xrf1) =	vsort.ascd.msk.f32 $0xffff, v2, v2;
	v17, _, _ =	vpop (xrf1)  }
0x2f: {  	v6 =	vperm.xlane v6, v0;
	(xrf1) =	vsort.ascd.msk.f32 $0xffff, v13, v13;
	v17 =	vperm.xlane v17, v0  }
0x30: {  	v10 =	vperm.xlane v10, v0;
	(xrf1) =	vsort.ascd.msk.f32 $0xffff, v3, v3;
	v18, _, _ =	vpop (xrf1)  }
0x31: {  	v6 =	vmax.f32 v15, v6;
	(xrf1) =	vsort.ascd.msk.f32 $0xffff, v11, v11;
	v19, _, _ =	vpop (xrf1)  }
0x32: {  	(xrf1) =	vsort.ascd.msk.f32 $0xffff, v7, v7;
	v22 =	vperm.xlane v16, v0;
	v10 =	vmax.f32 v19, v10  }
0x33: {  	(xrf1) =	vsort.ascd.msk.f32 $0xffff, v14, v14;
	v16 =	vld [tilespmem:s5+$0x10];
	v15 =	vmax.f32 v18, v17;
	v18 =	vmin.f32 v10, v6;
	v17, _, _ =	vpop (xrf1)  }
0x34: {  	v6 =	vmax.f32 v10, v6;
	(xrf1) =	vsort.ascd.msk.f32 $0xffff, v18, v18;
	v17 =	vmax.f32 v17, v22  }
0x35: {  	v18 =	vld [tilespmem:s5+$0x0];
	(xrf1) =	vsort.ascd.msk.f32 $0xffff, v6, v6;
	v10 =	vmax.f32 v15, v17  }
0x36: {  	v6 =	vmin.f32 v15, v17;
	(xrf1) =	vsort.ascd.msk.f32 $0xffff, v10, v10  }
0x37: {  	(xrf1) =	vsort.ascd.msk.f32 $0xffff, v6, v6  }
0x38: {  	(xrf1) =	vsort.ascd.msk.f32 $0xffff, v16, v16;
	_ =	sdelay $0x1  }
0x39: {  	(xrf1) =	vsort.ascd.msk.f32 $0xffff, v18, v18;
	_ =	sdelay $0x1  }
0x3a: {  	v6, _, _ =	vpop (xrf1)  }
0x3b: {  	v10, _, _ =	vpop (xrf1)  }
0x3c: {  	v15, _, _ =	vpop (xrf1)  }
0x3d: {  	v17, _, _ =	vpop (xrf1)  }
0x3e: {  	v19, _, _ =	vpop (xrf1)  }
0x3f: {  	v6 =	vperm.xlane v6, v0;
	v22, _, _ =	vpop (xrf1)  }
0x40: {  	v23, _, _ =	vpop (xrf1)  }
0x41: {  	v25 =	vmin.f32 v15, v6;
	v24, _, _ =	vpop (xrf1)  }
0x42: {  	v10 =	vperm.xlane v10, v0;
	v6 =	vmax.f32 v15, v6;
	v15 =	vperm.xlane v22, v0;
	v26, _, _ =	vpop (xrf1)  }
0x43: {  	(xrf1) =	vsort.ascd.msk.f32 $0xffff, v25, v25;
	v22, _, _ =	vpop (xrf1)  }
0x44: {  	(xrf1) =	vsort.ascd.msk.f32 $0xffff, v6, v6;
	v6 =	vmax.f32 v19, v10;
	v25, _, _ =	vpop (xrf1)  }
0x45: {  	v27 =	vmin.f32 v17, v15;
	(xrf1) =	vsort.ascd.msk.f32 $0xffff, v6, v6;
	v25 =	vperm.xlane v25, v0  }
0x46: {  	v6 =	vmax.f32 v17, v15;
	(xrf1) =	vsort.ascd.msk.f32 $0xffff, v27, v27;
	v15, _, _ =	vpop (xrf1)  }
0x47: {  	(xrf1) =	vsort.ascd.msk.f32 $0xffff, v6, v6;
	v17 =	vmin.f32 v15, v25  }
0x48: {  	v6 =	vmin.f32 v19, v10;
	(xrf1) =	vsort.ascd.msk.f32 $0xffff, v17, v17  }
0x49: {  	(xrf1) =	vsort.ascd.msk.f32 $0xffff, v6, v6  }
0x4a: {  	v6 =	vmax.f32 v15, v25  }
0x4b: {  	(xrf1) =	vsort.ascd.msk.f32 $0xffff, v6, v6;
	_ =	sdelay $0x1  }
0x4c: {  	s6 =	simm.s32 $0x100  }
0x4d: {  	v6 =	vld [tilespmem:s6+$0x70]  }
0x4e: {  	v32 =	vld [tilespmem:s6+$0x50];
	_ =	sdelay $0x1  }
0x4f: {  	v31 =	vld [tilespmem:s6+$0x60];
	v23 =	vperm.xlane v23, v0;
	v24 =	vperm.xlane v24, v0;
	v17, _, _ =	vpop (xrf1)  }
0x50: {  	v15 =	vld [tilespmem:s6+$0x20];
	v25, _, _ =	vpop (xrf1)  }
0x51: {  	v10 =	vld [tilespmem:s6+$0x40];
	v23 =	vmax.f32 v26, v23;
	v22 =	vmax.f32 v22, v24;
	v27, _, _ =	vpop (xrf1);
	(xrf1) =	vsort.ascd.msk.f32 $0xffff, v6, v6  }
0x52: {  	v19 =	vld [tilespmem:s6+$0x30];
	v22 =	vmin.f32 v22, v23;
	v28, _, _ =	vpop (xrf1);
	(xrf1) =	vsort.ascd.msk.f32 $0xffff, v32, v32  }
0x53: {  	(xrf0) =	vmin.scan.msk.f32 $0xffff, v22;
	v24, _, _ =	vpop (xrf1)  }
0x54: {  	v17 =	vperm.xlane v17, v0;
	v25 =	vperm.xlane v25, v0;
	(xrf1) =	vsort.ascd.msk.f32 $0xffff, v31, v31;
	v26, _, _ =	vpop (xrf1)  }
0x55: {  	v22 =	vperm.xlane v28, v0;
	v23 =	vperm.xlane v24, v0;
	(xrf1) =	vsort.ascd.msk.f32 $0xffff, v15, v15;
	v24, _, _ =	vpop (xrf1)  }
0x56: {  	(xrf1) =	vsort.ascd.msk.f32 $0xffff, v10, v10;
	v24 =	vmax.f32 v24, v25;
	v25 =	vmax.f32 v27, v17  }
0x57: {  	(xrf1) =	vsort.ascd.msk.f32 $0xffff, v19, v19;
	v23 =	vmax.f32 v26, v23;
	v17 =	vld [tilespmem:s6+$0x10];
	v26, _, _ =	vpop (xrf1);
	v27 =	vmin.f32 v24, v25  }
0x58: {  	v22 =	vmax.f32 v26, v22;
	v24 =	vmax.f32 v24, v25;
	(xrf1) =	vsort.ascd.msk.f32 $0xffff, v27, v27  }
0x59: {  	v30 =	vld [tilespmem:s6+$0x0];
	v25 =	vmax.f32 v23, v22;
	(xrf1) =	vsort.ascd.msk.f32 $0xffff, v24, v24  }
0x5a: {  	v22 =	vmin.f32 v23, v22;
	(xrf1) =	vsort.ascd.msk.f32 $0xffff, v25, v25  }
0x5b: {  	(xrf1) =	vsort.ascd.msk.f32 $0xffff, v22, v22  }
0x5c: {  	(xrf1) =	vsort.ascd.msk.f32 $0xffff, v17, v17;
	_ =	sdelay $0x1  }
0x5d: {  	v22, _, _ =	vpop (xrf0);
	(xrf1) =	vsort.ascd.msk.f32 $0xffff, v30, v30  }
0x5e: {  	v23, _, _ =	vpop (xrf1)  }
0x5f: {  	v22 =	vbroadcast v22, $0xF;
	v24, _, _ =	vpop (xrf1)  }
0x60: {  	v24 =	vperm.xlane v24, v0  }
0x61: {  	v25, _, _ =	vpop (xrf1);
	vm0 =	vge.f32 v21, v22;
	vm1 =	vge.f32 v8, v22;
	vm2 =	vge.f32 v9, v22  }
0x62: {  	v26, _, _ =	vpop (xrf1);
	vm3 =	vge.f32 v5, v22;
	vm4 =	vge.f32 v20, v22;
	v21 =	vnsel vm0, $0x0, v21  }
0x63: {  	vm0 =	vge.f32 v12, v22;
	v27, _, _ =	vpop (xrf1);
	v29 =	vnsel vm4, $0x0, v20;
	v20 =	vperm.xlane v23, v0  }
0x64: {  	vm15 =	vge.f32 v4, v22;
	v28, _, _ =	vpop (xrf1);
	v33 =	vnsel vm0, $0x0, v12;
	v12 =	vmax.f32 v21, v29  }
0x65: {  	vm0 =	vge.f32 v1, v22;
	v12 =	vmax.f32 v12, v33;
	v34 =	vmin.f32 v25, v20;
	v23, _, _ =	vpop (xrf1)  }
0x66: {  	v36 =	vnsel vm2, $0x0, v9;
	v9 =	vmax.f32 v25, v20;
	v20 =	vperm.xlane v28, v0;
	(xrf1) =	vsort.ascd.msk.f32 $0xffff, v34, v34;
	v22, _, _ =	vpop (xrf1)  }
0x67: {  	v41 =	vnsel vm1, $0x0, v8;
	v12 =	vmax.f32 v12, v36;
	(xrf1) =	vsort.ascd.msk.f32 $0xffff, v9, v9;
	v9 =	vmax.f32 v27, v24;
	v35, _, _ =	vpop (xrf1)  }
0x68: {  	v37 =	vnsel vm3, $0x0, v5;
	v8 =	vmin.f32 v26, v20;
	v5 =	vmax.f32 v12, v41;
	(xrf1) =	vsort.ascd.msk.f32 $0xffff, v9, v9;
	v25, _, _ =	vpop (xrf1)  }
0x69: {  	v9 =	vmax.f32 v26, v20;
	v26 =	vnsel vm15, $0x0, v4;
	v4 =	vmax.f32 v5, v37;
	(xrf1) =	vsort.ascd.msk.f32 $0xffff, v8, v8;
	v28, _, _ =	vpop (xrf1)  }
0x6a: {  	v38 =	vnsel vm0, $0x0, v1;
	v1 =	vmax.f32 v4, v26;
	(xrf1) =	vsort.ascd.msk.f32 $0xffff, v9, v9;
	v28 =	vperm.xlane v28, v0  }
0x6b: {  	v1 =	vmax.f32 v1, v38;
	v12, _, _ =	vpop (xrf1)  }
0x6c: {  	(xrf0) =	vmax.scan.msk.f32 $0xffff, v1;
	v5 =	vmin.f32 v12, v28  }
0x6d: {  	v4 =	vmin.f32 v27, v24;
	(xrf1) =	vsort.ascd.msk.f32 $0xffff, v5, v5  }
0x6e: {  	v1 =	vmax.f32 v12, v28;
	(xrf1) =	vsort.ascd.msk.f32 $0xffff, v4, v4  }
0x6f: {  	(xrf1) =	vsort.ascd.msk.f32 $0xffff, v1, v1;
	_ =	sdelay $0x3  }
0x70: {  	s7 =	simm.s32 $0x180;
	v20, _, _ =	vpop (xrf0)  }
0x71: {  	v8 =	vperm.xlane v22, v0;
	v5 =	vperm.xlane v23, v0;
	v1 =	vld [tilespmem:s7+$0x70];
	v22, _, _ =	vpop (xrf1)  }
0x72: {  	v4 =	vld [tilespmem:s7+$0x50];
	v23, _, _ =	vpop (xrf1)  }
0x73: {  	v8 =	vmax.f32 v25, v8;
	v9 =	vmax.f32 v35, v5;
	v5 =	vld [tilespmem:s7+$0x60];
	v24, _, _ =	vpop (xrf1)  }
0x74: {  	v27 =	vbroadcast v20, $0xF;
	v9 =	vmin.f32 v8, v9;
	v8 =	vld [tilespmem:s7+$0x20];
	v25, _, _ =	vpop (xrf1)  }
0x75: {  	(xrf0) =	vmin.scan.msk.f32 $0xffff, v9;
	v9 =	vld [tilespmem:s7+$0x40];
	v20, _, _ =	vpop (xrf1)  }
0x76: {  	v12 =	vld [tilespmem:s7+$0x30];
	v42 =	vsub.f32 v21, v27;
	(xrf1) =	vsort.ascd.msk.f32 $0xffff, v1, v1;
	v21 =	vperm.xlane v20, v0  }
0x77: {  	v22 =	vperm.xlane v22, v0;
	(xrf1) =	vsort.ascd.msk.f32 $0xffff, v4, v4  }
0x78: {  	v23 =	vperm.xlane v23, v0;
	(xrf1) =	vsort.ascd.msk.f32 $0xffff, v5, v5;
	v28, _, _ =	vpop (xrf1)  }
0x79: {  	v22 =	vmax.f32 v24, v22;
	v25 =	vperm.xlane v25, v0;
	(xrf1) =	vsort.ascd.msk.f32 $0xffff, v8, v8;
	v20, _, _ =	vpop (xrf1)  }
0x7a: {  	(xrf1) =	vsort.ascd.msk.f32 $0xffff, v9, v9;
	v24 =	vmax.f32 v28, v21;
	v23 =	vmax.f32 v20, v23;
	v21, _, _ =	vpop (xrf1)  }
0x7b: {  	(xrf1) =	vsort.ascd.msk.f32 $0xffff, v12, v12;
	v28 =	vmin.f32 v23, v22;
	v25 =	vmax.f32 v21, v25  }
0x7c: {  	v20 =	vld [tilespmem:s7+$0x10];
	(xrf1) =	vsort.ascd.msk.f32 $0xffff, v28, v28;
	v28 =	vmax.f32 v24, v25  }
0x7d: {  	v22 =	vmax.f32 v23, v22;
	v23 =	vsub.f32 v33, v27  }
0x7e: {  	v21 =	vld [tilespmem:s7+$0x0];
	(xrf1) =	vsort.ascd.msk.f32 $0xffff, v22, v22;
	v22 =	vmin.f32 v24, v25;
	v25 =	vsub.f32 v36, v27  }
0x7f: {  	v43 =	vsub.f32 v37, v27;
	v24 =	vmul.f32 $1.442695020e+00, v42;
	v23 =	vmul.f32 $1.442695020e+00, v23;
	(xrf1) =	vsort.ascd.msk.f32 $0xffff, v28, v28;
	v28, _, _ =	vpop (xrf0)  }
0x80: {  	(xrf1) =	vsort.ascd.msk.f32 $0xffff, v22, v22;
	v22 =	vsub.f32 v41, v27;
	v25 =	vmul.f32 $1.442695020e+00, v25;
	v28 =	vbroadcast v28, $0xF  }
0x81: {  	(erf) = vpow2.f32 v24;
	v24 =	vsub.f32 v26, v27;
	v26 =	vsub.f32 v38, v27;
	(xrf1) =	vsort.ascd.msk.f32 $0xffff, v20, v20  }
0x82: {  	v22 =	vmul.f32 $1.442695020e+00, v22;
	(erf) = vpow2.f32 v25;
	vm0 =	vge.f32 v18, v28  }
0x83: {  	(xrf1) =	vsort.ascd.msk.f32 $0xffff, v21, v21;
	vm2 =	vge.f32 v11, v28;
	v44 =	vnsel vm0, $0x0, v18;
	vm0 =	vge.f32 v14, v28  }
0x84: {  	vm3 =	vge.f32 v13, v28;
	v45 =	vnsel vm0, $0x0, v14;
	vm0 =	vge.f32 v16, v28  }
0x85: {  	v46 =	vnsel vm3, $0x0, v13;
	v18 =	vsub.f32 v29, v27;
	v14, _, _ =	vpop (xrf1);
	v29 =	vnsel vm0, $0x0, v16  }
0x86: {  	v27 =	vnsel vm2, $0x0, v11;
	v13, _, _ =	vpop (xrf1);
	v14 =	vperm.xlane v14, v0;
	v11 =	vmax.f32 v44, v29  }
0x87: {  	vm1 =	vge.f32 v7, v28;
	vm3 =	vge.f32 v3, v28;
	v16, _, _ =	vpop (xrf1);
	v11 =	vmax.f32 v11, v27  }
0x88: {  	v18 =	vmul.f32 $1.442695020e+00, v18;
	v47 =	vmin.f32 v16, v14;
	v48, _, _ =	vpop (xrf1);
	v14 =	vmax.f32 v16, v14  }
0x89: {  	v25 =	vnsel vm1, $0x0, v7;
	vm0 =	vge.f32 v2, v28;
	v16, _, _ =	vpop (xrf1);
	v7 =	vmax.f32 v11, v45  }
0x8a: {  	v28 =	vnsel vm3, $0x0, v3;
	(erf) = vpow2.f32 v18;
	(xrf1) =	vsort.ascd.msk.f32 $0xffff, v47, v47;
	v7 =	vmax.f32 v7, v25;
	v11, _, _ =	vpop (xrf1)  }
0x8b: {  	v49 =	vnsel vm0, $0x0, v2;
	(erf) = vpow2.f32 v23;
	(xrf1) =	vsort.ascd.msk.f32 $0xffff, v14, v14;
	v3 =	vmax.f32 v7, v46;
	v14, _, _ =	vpop (xrf1)  }
0x8c: {  	v7 =	vperm.xlane v13, v0;
	v13 =	vmul.f32 $1.442695020e+00, v24;
	v3 =	vmax.f32 v3, v28;
	v2, _, _ =	vpop (xrf1)  }
0x8d: {  	v11 =	vperm.xlane v11, v0;
	v3 =	vmax.f32 v3, v49;
	v18, _, _ =	vpop (xrf1)  }
0x8e: {  	v23 =	vmul.f32 $1.442695020e+00, v43;
	(erf) = vpow2.f32 v22;
	(xrf0) =	vmax.scan.msk.f32 $0xffff, v3;
	v3 =	vmax.f32 v16, v7;
	v50, _, _ =	vpop (xrf1)  }
0x8f: {  	v24 =	vmul.f32 $1.442695020e+00, v26;
	v2 =	vperm.xlane v2, v0;
	(xrf1) =	vsort.ascd.msk.f32 $0xffff, v3, v3;
	v3 =	vmax.f32 v48, v11;
	v26, _, _ =	vpop (xrf1)  }
0x90: {  	(erf) = vpow2.f32 v13;
	v39 =	vmin.f32 v48, v11;
	v13 =	vpop (erf);
	v22 =	vperm.xlane v26, v0  }
0x91: {  	v14 =	vperm.xlane v14, v0;
	v7 =	vmin.f32 v16, v7;
	(xrf1) =	vsort.ascd.msk.f32 $0xffff, v39, v39;
	v11, _, _ =	vpop (xrf1)  }
0x92: {  	(erf) = vpow2.f32 v23;
	(xrf1) =	vsort.ascd.msk.f32 $0xffff, v3, v3;
	v3 =	vpop (erf);
	v23 =	vmin.f32 v11, v22;
	v11 =	vmax.f32 v11, v22  }
0x93: {  	v14 =	vmax.f32 v18, v14;
	v16 =	vmax.f32 v50, v2;
	v2 =	vpop (erf);
	(xrf1) =	vsort.ascd.msk.f32 $0xffff, v23, v23  }
0x94: {  	(xrf1) =	vsort.ascd.msk.f32 $0xffff, v7, v7;
	v7 =	vmin.f32 v16, v14;
	v16 =	vadd.f32 v2, v13  }
0x95: {  	(xrf1) =	vsort.ascd.msk.f32 $0xffff, v11, v11;
	v11 =	vpop (erf)  }
0x96: {  	(erf) = vpow2.f32 v24;
	v14, _, _ =	vpop (xrf0);
	(xrf0) =	vmin.scan.msk.f32 $0xffff, v7;
	v7 =	vadd.f32 v16, v11;
	_ =	sdelay $0x1  }
0x97: {  	v24, _, _ =	vpop (xrf1)  }
0x98: {  	s8 =	simm.s32 $0x200;
	v39 =	vbroadcast v14, $0xF;
	v41, _, _ =	vpop (xrf1);
	v16 =	vadd.f32 v7, v3  }
0x99: {  	v23 =	vld [tilespmem:s8+$0x70];
	v7 =	vpop (erf)  }
0x9a: {  	v18 =	vld [tilespmem:s8+$0x50];
	v22 =	vsub.f32 v44, v39;
	v27 =	vsub.f32 v27, v39;
	v14 =	vpop (erf)  }
0x9b: {  	v26 =	vld [tilespmem:s8+$0x60];
	v51 =	vsub.f32 v45, v39;
	v42, _, _ =	vpop (xrf0)  }
0x9c: {  	v40 =	vsub.f32 v25, v39;
	v33 =	vmul.f32 $1.442695020e+00, v27;
	v27 =	vld [tilespmem:s8+$0x20];
	v52 =	vadd.f32 v16, v7;
	v16 =	vpop (erf)  }
0x9d: {  	v36 =	vsub.f32 v46, v39;
	v25 =	vld [tilespmem:s8+$0x40];
	v55 =	vsub.f32 v28, v39;
	v56, _, _ =	vpop (xrf1)  }
0x9e: {  	v37 =	vsub.f32 v49, v39;
	v28 =	vld [tilespmem:s8+$0x30];
	(xrf1) =	vsort.ascd.msk.f32 $0xffff, v23, v23;
	v53 =	vmul.f32 $1.442695020e+00, v22;
	v54 =	vadd.f32 v52, v16;
	v22 =	vpop (erf)  }
0x9f: {  	v46 =	vperm.xlane v24, v0;
	v57 =	vperm.xlane v41, v0;
	(xrf1) =	vsort.ascd.msk.f32 $0xffff, v18, v18;
	v45, _, _ =	vpop (xrf1)  }
0xa0: {  	(xrf1) =	vsort.ascd.msk.f32 $0xffff, v26, v26;
	(erf) = vpow2.f32 v53;
	v43 =	vbroadcast v42, $0xF;
	v24, _, _ =	vpop (xrf1);
	v34 =	vadd.f32 v54, v14  }
0xa1: {  	v44 =	vmul.f32 $1.442695020e+00, v51;
	v40 =	vmul.f32 $1.442695020e+00, v40;
	v42 =	vmax.f32 v56, v46;
	(xrf1) =	vsort.ascd.msk.f32 $0xffff, v27, v27;
	v47, _, _ =	vpop (xrf1)  }
0xa2: {  	v38 =	vmul.f32 $1.442695020e+00, v36;
	vm2 =	vge.f32 v30, v43;
	v34 =	vadd.f32 v34, v22;
	(xrf1) =	vsort.ascd.msk.f32 $0xffff, v25, v25;
	v49, _, _ =	vpop (xrf1)  }
0xa3: {  	v41 =	vmul.f32 $1.442695020e+00, v55;
	v48 =	vperm.xlane v24, v0;
	v24 =	vld [tilespmem:s8+$0x0];
	(xrf1) =	vsort.ascd.msk.f32 $0xffff, v28, v28;
	v58 =	vmax.f32 v49, v57  }
0xa4: {  	vm0 =	vge.f32 v10, v43;
	v45 =	vperm.xlane v45, v0;
	(xrf2) =	vadd.scan.msk.f32 $0xffff, v34;
	v62 =	vmin.f32 v58, v42  }
0xa5: {  	vm3 =	vge.f32 v32, v43;
	v36 =	vnsel vm2, $0x0, v30;
	v59, _, _ =	vpop (xrf1);
	v30 =	vmax.f32 v58, v42;
	(xrf1) =	vsort.ascd.msk.f32 $0xffff, v62, v62  }
0xa6: {  	vm1 =	vge.f32 v15, v43;
	vm2 =	vge.f32 v19, v43;
	v35 =	vnsel vm3, $0x0, v32;
	(xrf1) =	vsort.ascd.msk.f32 $0xffff, v30, v30;
	v30 =	vld [tilespmem:s8+$0x10]  }
0xa7: {  	v60 =	vmax.f32 v47, v48;
	v61 =	vmax.f32 v59, v45;
	v42 =	vmul.f32 $1.442695020e+00, v37  }
0xa8: {  	v37 =	vnsel vm2, $0x0, v19;
	vm2 =	vge.f32 v31, v43;
	v46 =	vmovc v24;
	v63 =	vmax.f32 v60, v61  }
0xa9: {  	s9 =	simm.s32 $0xA00;
	v45 =	vmin.f32 v60, v61;
	v19 =	vpop (erf);
	v34 =	vnsel vm2, $0x0, v31;
	vm2 =	vge.f32 v6, v43;
	(xrf1) =	vsort.ascd.msk.f32 $0xffff, v63, v63  }
.LBB2_1:
0xaa: {  	p0 =	sne.s32 s9, $0x3E00;
	(xrf1) =	vsort.ascd.msk.f32 $0xffff, v45, v45;
	v45 =	vsub.f32 v29, v39;
	(erf) = vpow2.f32 v44;
	v31 =	vmovc v26;
	v32 =	vmov v12;
	s10 =	smov.u32 s9;
	s9 =	sadd.s32 $0x200, s9  }
0xab: {  	vm3 =	vge.f32 v17, v43;
	v12 =	vmov v28;
	(xrf1) =	vsort.ascd.msk.f32 $0xffff, v30, v30  }
0xac: {  	v29 =	vnsel vm3, $0x0, v17;
	v17 =	vmov v20;
	(xrf1) =	vsort.ascd.msk.f32 $0xffff, v24, v46;
	v26, _, _ =	vpop (xrf1);
	v28 =	vmul.f32 $1.442695020e+00, v45  }
0xad: {  	v43 =	vnsel vm1, $0x0, v15;
	v15 =	vmov v8;
	v20 =	vmax.f32 v36, v29;
	v39, _, _ =	vpop (xrf1)  }
0xae: {  	v8 =	vmov v27;
	v47 =	vperm.xlane v26, v0;
	v20 =	vmax.f32 v20, v43;
	v44, _, _ =	vpop (xrf1)  }
0xaf: {  	v27 =	vnsel vm0, $0x0, v10;
	v10 =	vmov v9;
	v20 =	vmax.f32 v20, v37;
	v45, _, _ =	vpop (xrf2)  }
0xb0: {  	v46 =	vmax.f32 v44, v47;
	v48 =	vmin.f32 v44, v47;
	v20 =	vmax.f32 v20, v27;
	v26, _, _ =	vpop (xrf1)  }
0xb1: {  	v9 =	vmov v25;
	v47 =	vbroadcast v45, $0xF;
	v44, _, _ =	vpop (xrf1);
	(xrf1) =	vsort.ascd.msk.f32 $0xffff, v48, v48;
	v48 =	vmax.f32 v20, v35  }
0xb2: {  	v45 =	vnsel vm2, $0x0, v6;
	v6 =	vmovc v1;
	v1 =	vmov v23;
	(xrf1) =	vsort.ascd.msk.f32 $0xffff, v46, v46;
	v25 =	vmax.f32 v48, v34  }
0xb3: {  	v20 =	vmov v30;
	v23 =	vmax.f32 v25, v45;
	(erf) = vpow2.f32 v28;
	v46 =	vpop (erf)  }
0xb4: {  	v25 =	vperm.xlane v39, v0;
	v28, _, _ =	vpop (xrf1);
	(erf) = vrcp.f32 v47  }
0xb5: {  	v28 =	vperm.xlane v28, v0;
	v30, _, _ =	vpop (xrf1);
	(xrf0) =	vmax.scan.msk.f32 $0xffff, v23;
	(erf) = vpow2.f32 v33  }
0xb6: {  	v23 =	vmax.f32 v44, v25;
	v25 =	vmin.f32 v44, v25;
	v30 =	vperm.xlane v30, v0;
	v33, _, _ =	vpop (xrf1)  }
0xb7: {  	v39 =	vmax.f32 v26, v28;
	v26 =	vmin.f32 v26, v28;
	v28 =	vperm.xlane v33, v0;
	v33, _, _ =	vpop (xrf1)  }
0xb8: {  	v30 =	vmax.f32 v33, v30;
	v33, _, _ =	vpop (xrf1)  }
0xb9: {  	v44, _, _ =	vpop (xrf1);
	v28 =	vmax.f32 v33, v28;
	(erf) = vpow2.f32 v40  }
0xba: {  	v33 =	vperm.xlane v44, v0;
	v40, _, _ =	vpop (xrf1);
	(xrf1) =	vsort.ascd.msk.f32 $0xffff, v23, v23;
	v23 =	vmin.f32 v28, v30;
	(erf) = vpow2.f32 v41  }
0xbb: {  	(xrf1) =	vsort.ascd.msk.f32 $0xffff, v26, v26;
	v26, _, _ =	vpop (xrf0);
	(erf) = vpow2.f32 v38  }
0xbc: {  	v28 =	vmax.f32 v40, v33;
	v33 =	vmin.f32 v40, v33;
	(xrf1) =	vsort.ascd.msk.f32 $0xffff, v39, v39;
	v39 =	vbroadcast v26, $0xF;
	v38 =	vpop (erf)  }
0xbd: {  	(xrf1) =	vsort.ascd.msk.f32 $0xffff, v33, v33;
	v26 =	vadd.f32 v38, v19;
	v30 =	vpop (erf)  }
0xbe: {  	(xrf1) =	vsort.ascd.msk.f32 $0xffff, v25, v25;
	v25 =	vsub.f32 v36, v39;
	v36 =	vpop (erf);
	(erf) = vpow2.f32 v42;
	v22 =	vmul.f32 v30, v22  }
0xbf: {  	v16 =	vmul.f32 v30, v16;
	(xrf1) =	vsort.ascd.msk.f32 $0xffff, v28, v28;
	v42, _, _ =	vpop (xrf1);
	v26 =	vadd.f32 v26, v36  }
0xc0: {  	s10 =	sshra.s32 s10, $0x2;
	v28 =	vmul.f32 v30, v14;
	v47, _, _ =	vpop (xrf1);
	(xrf0) =	vmin.scan.msk.f32 $0xffff, v23;
	v40 =	vmul.f32 $1.442695020e+00, v25;
	[tilespmem:s4+$0x1070] =	vst v22  }
0xc1: {  	v13 =	vmul.f32 v30, v13;
	v25 =	vmul.f32 v30, v7;
	v23 =	vld [tilespmem:s10+$0x70];
	v22 =	vadd.f32 v26, v46;
	[tilespmem:s4+$0x1050] =	vst v16  }
0xc2: {  	v43 =	vsub.f32 v43, v39;
	v41 =	vmul.f32 v30, v2;
	v49 =	vmul.f32 v30, v3;
	v48 =	vld [tilespmem:s10+$0x50];
	v7 =	vpop (erf);
	[tilespmem:s4+$0x1060] =	vst v28  }
0xc3: {  	v37 =	vsub.f32 v37, v39;
	v50 =	vmul.f32 v30, v11;
	v26 =	vld [tilespmem:s10+$0x60];
	v22 =	vadd.f32 v22, v7;
	v14 =	vpop (erf);
	[tilespmem:s4+$0x1040] =	vst v25  }
0xc4: {  	v35 =	vsub.f32 v35, v39;
	v33 =	vmul.f32 $1.442695020e+00, v43;
	v30 =	vsub.f32 v27, v39;
	v25 =	vld [tilespmem:s10+$0x40];
	v16 =	vpop (erf);
	[tilespmem:s4+$0x1030] =	vst v49  }
0xc5: {  	v3 =	vmovc v46;
	v2 =	vmovc v38;
	v44 =	vmul.f32 $1.442695020e+00, v37;
	v28 =	vld [tilespmem:s10+$0x30];
	(erf) = vpow2.f32 v40;
	v37 =	vadd.f32 v22, v16;
	[tilespmem:s4+$0x1020] =	vst v50  }
0xc6: {  	v38 =	vmul.f32 $1.442695020e+00, v35;
	v40 =	vmul.f32 $1.442695020e+00, v30;
	v30 =	vsub.f32 v34, v39;
	v27 =	vld [tilespmem:s10+$0x20];
	v11, _, _ =	vpop (xrf0);
	[tilespmem:s4+$0x1000] =	vst v13  }
0xc7: {  	v46 =	vld [tilespmem:s10+$0x0];
	(xrf1) =	vsort.ascd.msk.f32 $0xffff, v23, v23;
	v43 =	vbroadcast v11, $0xF;
	v34 =	vadd.f32 v37, v14;
	v22 =	vpop (erf);
	[tilespmem:s4+$0x1010] =	vst v41;
	s4 =	smov.u32 s5;
	s5 =	smov.u32 s6;
	s6 =	smov.u32 s7  }
0xc8: {  	v41 =	vmul.f32 $1.442695020e+00, v30;
	v37 =	vsub.f32 v45, v39;
	v11 =	vmov v36;
	s7 =	smov.u32 s8;
	s8 =	smov.u32 s10;
	(xrf1) =	vsort.ascd.msk.f32 $0xffff, v48, v48;
	v35, _, _ =	vpop (xrf1)  }
0xc9: {  	v13 =	vmov v19;
	(xrf1) =	vsort.ascd.msk.f32 $0xffff, v26, v26;
	v45, _, _ =	vpop (xrf1);
	vm1 =	vge.f32 v21, v43;
	vm0 =	vge.f32 v10, v43  }
0xca: {  	v19 =	vperm.xlane v42, v0;
	v30 =	vld [tilespmem:s8+$0x10];
	v42, _, _ =	vpop (xrf1);
	v36 =	vnsel vm1, $0x0, v21;
	vm1 =	vge.f32 v15, v43  }
0xcb: {  	v47 =	vperm.xlane v47, v0;
	v21 =	vmov v24;
	(xrf1) =	vsort.ascd.msk.f32 $0xffff, v27, v27;
	v49 =	vperm.xlane v42, v0;
	v50, _, _ =	vpop (xrf1)  }
0xcc: {  	v34 =	vadd.f32 v34, v22;
	v51 =	vperm.xlane v45, v0;
	v42 =	vmul.f32 $1.442695020e+00, v37;
	(xrf1) =	vsort.ascd.msk.f32 $0xffff, v25, v25;
	v45, _, _ =	vpop (xrf1)  }
0xcd: {  	v37 =	vmax.f32 v50, v49;
	v45 =	vmax.f32 v45, v47;
	v49 =	vmax.f32 v35, v19;
	v35, _, _ =	vpop (xrf1)  }
.Ltmp0:
0xce: {  	v50 =	vmax.f32 v35, v51;
	v35 =	vmin.f32 v45, v49;
	v47 =	vmax.f32 v45, v49;
	v19 =	vpop (erf);
	(xrf2) =	vadd.scan.msk.f32 $0xffff, v34;
	(pc) =	sbr.rel @p0 .LBB2_1-.Ltmp0, $4  }
0xcf: {  	v24 =	vmovc v46;
	(xrf1) =	vsort.ascd.msk.f32 $0xffff, v28, v28;
	v45 =	vmin.f32 v37, v50;
	v34 =	vmax.f32 v37, v50  }
0xd0: {  	vm2 =	vge.f32 v32, v43;
	vm3 =	vge.f32 v4, v43;
	(xrf1) =	vsort.ascd.msk.f32 $0xffff, v35, v35  }
0xd1: {  	v37 =	vnsel vm2, $0x0, v32;
	vm2 =	vge.f32 v5, v43;
	v35 =	vnsel vm3, $0x0, v4;
	v4 =	vmovc v18;
	(xrf1) =	vsort.ascd.msk.f32 $0xffff, v47, v47  }
0xd2: {  	v18 =	vmovc v48;
	(xrf1) =	vsort.ascd.msk.f32 $0xffff, v34, v34;
	v34 =	vnsel vm2, $0x0, v5;
	vm2 =	vge.f32 v6, v43;
	v5 =	vmov v31  }
0xd3: {  	_ =	sdelay $0x2  }
0xd4: {  	v29 =	vsub.f32 v29, v39;
	_ =	sdelay $0x1  }
0xd5: {  	v29 =	vmul.f32 $1.442695020e+00, v29;
	v31, _, _ =	vpop (xrf2)  }
0xd6: {  	(erf) = vpow2.f32 v44;
	v31 =	vbroadcast v31, $0xF  }
0xd7: {  	(erf) = vpow2.f32 v29  }
0xd8: {  	(erf) = vrcp.f32 v31  }
0xd9: {  	(erf) = vpow2.f32 v33;
	_ =	sdelay $0x2  }
0xda: {  	v61, _, _ =	vpop (xrf1)  }
0xdb: {  	v62, _, _ =	vpop (xrf1);
	(erf) = vpow2.f32 v40  }
0xdc: {  	(xrf1) =	vsort.ascd.msk.f32 $0xffff, v45, v45;
	v63, _, _ =	vpop (xrf1);
	(erf) = vpow2.f32 v41  }
0xdd: {  	v31 =	vpop (erf);
	(erf) = vpow2.f32 v38  }
0xde: {  	(xrf1) =	vsort.ascd.msk.f32 $0xffff, v30, v30;
	v29 =	vpop (erf)  }
0xdf: {  	v51 =	vadd.f32 v29, v19;
	v33 =	vpop (erf)  }
0xe0: {  	vm3 =	vge.f32 v17, v43;
	(xrf1) =	vsort.ascd.msk.f32 $0xffff, v24, v46;
	v32 =	vpop (erf)  }
0xe1: {  	v40, _, _ =	vpop (xrf1);
	(erf) = vpow2.f32 v42;
	v42 =	vnsel vm3, $0x0, v17;
	v38 =	vadd.f32 v51, v32  }
0xe2: {  	v46 =	vnsel vm1, $0x0, v15;
	v41, _, _ =	vpop (xrf1);
	v53 =	vmax.f32 v36, v42  }
0xe3: {  	v52, _, _ =	vpop (xrf1);
	v56 =	vmax.f32 v53, v46;
	v54 =	vadd.f32 v38, v31  }
0xe4: {  	v48 =	vnsel vm0, $0x0, v10;
	v55 =	vperm.xlane v61, v0;
	v15 =	vpop (erf);
	v39 =	vmax.f32 v56, v37  }
0xe5: {  	v10 =	vpop (erf);
	v39 =	vmax.f32 v39, v48;
	v49 =	vadd.f32 v54, v15  }
0xe6: {  	v38 =	vmin.f32 v63, v55;
	v17 =	vpop (erf);
	v57 =	vmax.f32 v39, v35  }
0xe7: {  	v47, _, _ =	vpop (xrf1);
	(xrf1) =	vsort.ascd.msk.f32 $0xffff, v38, v38;
	v60 =	vmax.f32 v57, v34;
	v59 =	vadd.f32 v49, v17;
	v49 =	vnsel vm2, $0x0, v6  }
0xe8: {  	v58, _, _ =	vpop (xrf1);
	v6 =	vmax.f32 v60, v49  }
0xe9: {  	v61 =	vperm.xlane v62, v0;
	v50 =	vmax.f32 v63, v55;
	v62, _, _ =	vpop (xrf1)  }
0xea: {  	v43 =	vperm.xlane v52, v0;
	v63, _, _ =	vpop (xrf1);
	(xrf1) =	vsort.ascd.msk.f32 $0xffff, v50, v50;
	v45 =	vadd.f32 v59, v10  }
0xeb: {  	v51 =	vmax.f32 v41, v61;
	(xrf0) =	vmax.scan.msk.f32 $0xffff, v6;
	v6 =	vpop (erf)  }
0xec: {  	v52 =	vmin.f32 v40, v43;
	(xrf1) =	vsort.ascd.msk.f32 $0xffff, v51, v51;
	v54, _, _ =	vpop (xrf1);
	v45 =	vadd.f32 v45, v6  }
0xed: {  	(xrf1) =	vsort.ascd.msk.f32 $0xffff, v52, v52;
	v51 =	vperm.xlane v54, v0  }
0xee: {  	v40 =	vmax.f32 v40, v43;
	v55, _, _ =	vpop (xrf1);
	(xrf2) =	vadd.scan.msk.f32 $0xffff, v45  }
0xef: {  	(xrf1) =	vsort.ascd.msk.f32 $0xffff, v40, v40;
	v56 =	vmin.f32 v55, v51  }
0xf0: {  	v38 =	vmin.f32 v41, v61;
	v39 =	vperm.xlane v58, v0;
	(xrf1) =	vsort.ascd.msk.f32 $0xffff, v56, v56  }
0xf1: {  	v57 =	vperm.xlane v47, v0;
	v58 =	vmax.f32 v55, v51;
	(xrf1) =	vsort.ascd.msk.f32 $0xffff, v38, v38;
	v59, _, _ =	vpop (xrf0)  }
0xf2: {  	(xrf1) =	vsort.ascd.msk.f32 $0xffff, v58, v58;
	v38 =	vbroadcast v59, $0xF  }
0xf3: {  	v39 =	vmax.f32 v63, v39;
	v40 =	vmax.f32 v62, v57  }
0xf4: {  	v39 =	vmin.f32 v39, v40;
	v60 =	vsub.f32 v36, v38  }
0xf5: {  	(xrf0) =	vmin.scan.msk.f32 $0xffff, v39;
	v61 =	vsub.f32 v37, v38;
	v62 =	vsub.f32 v42, v38;
	v63, _, _ =	vpop (xrf1)  }
0xf6: {  	v45 =	vsub.f32 v46, v38;
	v40 =	vperm.xlane v63, v0;
	v36 =	vmul.f32 $1.442695020e+00, v60  }
0xf7: {  	v37 =	vmul.f32 $1.442695020e+00, v61;
	v46 =	vmul.f32 $1.442695020e+00, v62  }
0xf8: {  	v55 =	vsub.f32 v35, v38;
	v52 =	vmul.f32 $1.442695020e+00, v45;
	(erf) = vpow2.f32 v36;
	v47, _, _ =	vpop (xrf2)  }
0xf9: {  	v56 =	vsub.f32 v34, v38;
	v50, _, _ =	vpop (xrf1);
	(erf) = vpow2.f32 v37;
	v51 =	vbroadcast v47, $0xF  }
0xfa: {  	v43, _, _ =	vpop (xrf1);
	v59 =	vmul.f32 $1.442695020e+00, v55;
	(erf) = vpow2.f32 v46  }
0xfb: {  	v54 =	vsub.f32 v48, v38;
	v34 =	vmul.f32 $1.442695020e+00, v56;
	v53, _, _ =	vpop (xrf0);
	(erf) = vrcp.f32 v51  }
0xfc: {  	v60 =	vsub.f32 v49, v38;
	v42 =	vperm.xlane v50, v0;
	v57, _, _ =	vpop (xrf1);
	(erf) = vpow2.f32 v52  }
0xfd: {  	v36 =	vmul.f32 $1.442695020e+00, v54;
	v39 =	vbroadcast v53, $0xF;
	v58, _, _ =	vpop (xrf1)  }
0xfe: {  	v40 =	vmax.f32 v43, v40;
	v53 =	vperm.xlane v57, v0;
	v54 =	vmul.f32 $1.442695020e+00, v60;
	v61, _, _ =	vpop (xrf1)  }
0xff: {  	v41 =	vperm.xlane v58, v0;
	vm11 =	vge.f32 v21, v39;
	vm12 =	vge.f32 v9, v39;
	v62, _, _ =	vpop (xrf1)  }
0x100: {  	vm13 =	vge.f32 v8, v39;
	vm14 =	vge.f32 v20, v39;
	v63, _, _ =	vpop (xrf1);
	(erf) = vpow2.f32 v36  }
0x101: {  	vm15 =	vge.f32 v12, v39;
	v52 =	vnsel vm11, $0x0, v21;
	v21 =	vpop (erf);
	(erf) = vpow2.f32 v34  }
0x102: {  	vm5 =	vge.f32 v4, v39;
	v36 =	vmax.f32 v63, v53;
	v35 =	vpop (erf);
	(erf) = vpow2.f32 v59  }
0x103: {  	vm6 =	vge.f32 v5, v39;
	v20 =	vnsel vm14, $0x0, v20;
	v58 =	vnsel vm13, $0x0, v8;
	v34 =	vpop (erf)  }
0x104: {  	v12 =	vnsel vm15, $0x0, v12;
	v38 =	vmax.f32 v61, v41;
	v56 =	vadd.f32 v34, v21;
	v37 =	vpop (erf)  }
0x105: {  	v55 =	vmax.f32 v62, v42;
	v57 =	vmin.f32 v38, v36;
	v38 =	vmax.f32 v38, v36;
	v36 =	vpop (erf)  }
0x106: {  	v59 =	vmax.f32 v52, v20;
	(erf) = vpow2.f32 v54;
	v43 =	vadd.f32 v56, v36  }
0x107: {  	v42 =	vmin.f32 v55, v40;
	v40 =	vmax.f32 v55, v40;
	v60 =	vmax.f32 v59, v58  }
0x108: {  	v61 =	vnsel vm12, $0x0, v9;
	(xrf1) =	vsort.ascd.msk.f32 $0xffff, v42, v42;
	v42 =	vmax.f32 v60, v12;
	v43 =	vadd.f32 v43, v35  }
0x109: {  	vm7 =	vge.f32 v1, v39;
	v45 =	vnsel vm5, $0x0, v4;
	(xrf1) =	vsort.ascd.msk.f32 $0xffff, v40, v40;
	v62 =	vmax.f32 v42, v61;
	v8 =	vpop (erf)  }
0x10a: {  	v5 =	vnsel vm6, $0x0, v5;
	(xrf1) =	vsort.ascd.msk.f32 $0xffff, v38, v38;
	v38 =	vmax.f32 v62, v45;
	v9 =	vpop (erf);
	v43 =	vadd.f32 v43, v8  }
0x10b: {  	v41 =	vnsel vm7, $0x0, v1;
	v46 =	vmax.f32 v38, v5;
	v4 =	vpop (erf)  }
0x10c: {  	(xrf1) =	vsort.ascd.msk.f32 $0xffff, v57, v57;
	v1 =	vmax.f32 v46, v41;
	v63 =	vadd.f32 v43, v4;
	_ =	sdelay $0x1  }
0x10d: {  	v48 =	vadd.f32 v63, v9  }
0x10e: {  	(xrf0) =	vmax.scan.msk.f32 $0xffff, v1;
	v1 =	vpop (erf)  }
0x10f: {  	v38 =	vadd.f32 v48, v1;
	_ =	sdelay $0x1  }
0x110: {  	(xrf2) =	vadd.scan.msk.f32 $0xffff, v38;
	_ =	sdelay $0x2  }
0x111: {  	v49, _, _ =	vpop (xrf0)  }
0x112: {  	v38 =	vbroadcast v49, $0xF  }
0x113: {  	v50, _, _ =	vpop (xrf1)  }
0x114: {  	v51, _, _ =	vpop (xrf1);
	v52 =	vsub.f32 v52, v38  }
0x115: {  	v39 =	vperm.xlane v50, v0;
	v53 =	vperm.xlane v51, v0;
	v54, _, _ =	vpop (xrf1);
	v12 =	vsub.f32 v12, v38  }
0x116: {  	v55, _, _ =	vpop (xrf1);
	v20 =	vsub.f32 v20, v38;
	v43 =	vmul.f32 $1.442695020e+00, v52  }
0x117: {  	v39 =	vmax.f32 v54, v39;
	v0 =	vmax.f32 v55, v53;
	v12 =	vmul.f32 $1.442695020e+00, v12  }
0x118: {  	v56 =	vsub.f32 v58, v38;
	v20 =	vmul.f32 $1.442695020e+00, v20;
	(erf) = vpow2.f32 v43;
	v57, _, _ =	vpop (xrf2)  }
0x119: {  	v0 =	vmin.f32 v0, v39;
	(erf) = vpow2.f32 v12;
	v58 =	vbroadcast v57, $0xF  }
0x11a: {  	(xrf0) =	vmin.scan.msk.f32 $0xffff, v0;
	v59 =	vmul.f32 $1.442695020e+00, v56;
	(erf) = vpow2.f32 v20  }
0x11b: {  	(erf) = vrcp.f32 v58  }
0x11c: {  	v60 =	vsub.f32 v61, v38;
	(erf) = vpow2.f32 v59  }
0x11d: {  	v61 =	vsub.f32 v5, v38;
	v62 =	vsub.f32 v45, v38  }
0x11e: {  	v12 =	vmul.f32 $1.442695020e+00, v60  }
0x11f: {  	v63 =	vmul.f32 $1.442695020e+00, v61;
	v5 =	vmul.f32 $1.442695020e+00, v62  }
0x120: {  	v42, _, _ =	vpop (xrf0);
	(erf) = vpow2.f32 v12  }
0x121: {  	v0 =	vpop (erf);
	(erf) = vpow2.f32 v63  }
0x122: {  	v39 =	vbroadcast v42, $0xF;
	v43 =	vsub.f32 v41, v38;
	v12 =	vpop (erf);
	(erf) = vpow2.f32 v5  }
0x123: {  	v5 =	vpop (erf)  }
0x124: {  	vm8 =	vge.f32 v24, v39;
	v44 =	vmul.f32 $1.442695020e+00, v43;
	v45 =	vadd.f32 v5, v0;
	v38 =	vpop (erf)  }
0x125: {  	vm9 =	vge.f32 v25, v39;
	vm10 =	vge.f32 v27, v39;
	vm11 =	vge.f32 v30, v39;
	v20 =	vpop (erf)  }
0x126: {  	vm12 =	vge.f32 v28, v39;
	(erf) = vpow2.f32 v44;
	v46 =	vadd.f32 v45, v20  }
0x127: {  	vm13 =	vge.f32 v18, v39;
	v24 =	vnsel vm8, $0x0, v24;
	v30 =	vnsel vm11, $0x0, v30  }
0x128: {  	v27 =	vnsel vm10, $0x0, v27;
	v47 =	vmax.f32 v24, v30;
	v40 =	vadd.f32 v46, v12  }
0x129: {  	vm14 =	vge.f32 v26, v39;
	v28 =	vnsel vm12, $0x0, v28;
	v41 =	vmax.f32 v47, v27;
	v42 =	vpop (erf)  }
0x12a: {  	v25 =	vnsel vm9, $0x0, v25;
	v41 =	vmax.f32 v41, v28;
	v43 =	vpop (erf);
	v40 =	vadd.f32 v40, v42  }
0x12b: {  	vm15 =	vge.f32 v23, v39;
	v18 =	vnsel vm13, $0x0, v18;
	v41 =	vmax.f32 v41, v25;
	v44 =	vpop (erf)  }
0x12c: {  	v26 =	vnsel vm14, $0x0, v26;
	v48 =	vmax.f32 v41, v18;
	v40 =	vadd.f32 v40, v44  }
0x12d: {  	v23 =	vnsel vm15, $0x0, v23;
	v39 =	vmax.f32 v48, v26  }
0x12e: {  	v39 =	vmax.f32 v39, v23;
	v40 =	vadd.f32 v40, v43  }
0x12f: {  	(xrf0) =	vmax.scan.msk.f32 $0xffff, v39;
	v49 =	vpop (erf)  }
0x130: {  	v40 =	vadd.f32 v40, v49;
	_ =	sdelay $0x1  }
0x131: {  	(xrf2) =	vadd.scan.msk.f32 $0xffff, v40;
	_ =	sdelay $0x2  }
0x132: {  	v50, _, _ =	vpop (xrf0)  }
0x133: {  	v40 =	vbroadcast v50, $0xF;
	_ =	sdelay $0x1  }
0x134: {  	v24 =	vsub.f32 v24, v40  }
0x135: {  	v28 =	vsub.f32 v28, v40  }
0x136: {  	v30 =	vsub.f32 v30, v40;
	v24 =	vmul.f32 $1.442695020e+00, v24  }
0x137: {  	v28 =	vmul.f32 $1.442695020e+00, v28  }
0x138: {  	v27 =	vsub.f32 v27, v40;
	v51 =	vmul.f32 $1.442695020e+00, v30;
	(erf) = vpow2.f32 v24;
	v52, _, _ =	vpop (xrf2)  }
0x139: {  	(erf) = vpow2.f32 v28;
	v53 =	vbroadcast v52, $0xF  }
0x13a: {  	v27 =	vmul.f32 $1.442695020e+00, v27;
	(erf) = vpow2.f32 v51  }
0x13b: {  	v54 =	vsub.f32 v25, v40;
	(erf) = vrcp.f32 v53  }
0x13c: {  	v55 =	vsub.f32 v26, v40;
	(erf) = vpow2.f32 v27  }
0x13d: {  	v18 =	vsub.f32 v18, v40;
	v24 =	vmul.f32 $1.442695020e+00, v54  }
0x13e: {  	v25 =	vmul.f32 $1.442695020e+00, v55  }
0x13f: {  	v18 =	vmul.f32 $1.442695020e+00, v18  }
0x140: {  	(erf) = vpow2.f32 v24  }
0x141: {  	v24 =	vpop (erf);
	(erf) = vpow2.f32 v25  }
0x142: {  	v23 =	vsub.f32 v23, v40;
	v25 =	vpop (erf);
	(erf) = vpow2.f32 v18  }
0x143: {  	v18 =	vpop (erf)  }
0x144: {  	v23 =	vmul.f32 $1.442695020e+00, v23;
	v56 =	vadd.f32 v18, v24;
	v57 =	vpop (erf)  }
0x145: {  	v28 =	vpop (erf)  }
0x146: {  	(erf) = vpow2.f32 v23;
	v58 =	vadd.f32 v56, v28;
	_ =	sdelay $0x1  }
0x147: {  	v23 =	vadd.f32 v58, v25  }
0x148: {  	v22 =	vmul.f32 v33, v22;
	v26 =	vpop (erf)  }
0x149: {  	v16 =	vmul.f32 v33, v16;
	v59 =	vpop (erf);
	v23 =	vadd.f32 v23, v26  }
0x14a: {  	v14 =	vmul.f32 v33, v14;
	[tilespmem:s4+$0x1070] =	vst v22;
	v60 =	vpop (erf)  }
0x14b: {  	v7 =	vmul.f32 v33, v7;
	[tilespmem:s4+$0x1050] =	vst v16;
	v61 =	vadd.f32 v23, v60  }
0x14c: {  	v3 =	vmul.f32 v33, v3;
	[tilespmem:s4+$0x1060] =	vst v14  }
0x14d: {  	v11 =	vmul.f32 v33, v11;
	[tilespmem:s4+$0x1040] =	vst v7;
	v62 =	vadd.f32 v61, v59  }
0x14e: {  	v13 =	vmul.f32 v33, v13;
	[tilespmem:s4+$0x1030] =	vst v3;
	v63 =	vpop (erf)  }
0x14f: {  	v2 =	vmul.f32 v33, v2;
	[tilespmem:s4+$0x1020] =	vst v11;
	v7 =	vadd.f32 v62, v63  }
0x150: {  	[tilespmem:s4+$0x1000] =	vst v13;
	v6 =	vmul.f32 v37, v6  }
0x151: {  	[tilespmem:s4+$0x1010] =	vst v2;
	v13 =	vmul.f32 v37, v17;
	(xrf2) =	vadd.scan.msk.f32 $0xffff, v7  }
0x152: {  	v14 =	vmul.f32 v37, v10;
	[tilespmem:s5+$0x1070] =	vst v6  }
0x153: {  	v15 =	vmul.f32 v37, v15;
	[tilespmem:s5+$0x1050] =	vst v13  }
0x154: {  	v16 =	vmul.f32 v37, v31;
	[tilespmem:s5+$0x1060] =	vst v14  }
0x155: {  	v17 =	vmul.f32 v37, v32;
	[tilespmem:s5+$0x1040] =	vst v15  }
0x156: {  	v31 =	vmul.f32 v37, v29;
	[tilespmem:s5+$0x1030] =	vst v16  }
0x157: {  	[tilespmem:s5+$0x1020] =	vst v17;
	v23 =	vmul.f32 v37, v19  }
0x158: {  	[tilespmem:s5+$0x1010] =	vst v31;
	v1 =	vmul.f32 v38, v1  }
0x159: {  	v32 =	vmul.f32 v38, v4;
	[tilespmem:s5+$0x1000] =	vst v23  }
0x15a: {  	v33 =	vmul.f32 v38, v9;
	[tilespmem:s6+$0x1070] =	vst v1  }
0x15b: {  	v37 =	vmul.f32 v38, v8;
	[tilespmem:s6+$0x1050] =	vst v32;
	v40, _, _ =	vpop (xrf2)  }
0x15c: {  	v41 =	vmul.f32 v38, v35;
	[tilespmem:s6+$0x1060] =	vst v33;
	v2 =	vbroadcast v40, $0xF  }
0x15d: {  	v45 =	vmul.f32 v38, v36;
	[tilespmem:s6+$0x1040] =	vst v37  }
0x15e: {  	v46 =	vmul.f32 v38, v21;
	[tilespmem:s6+$0x1030] =	vst v41;
	(erf) = vrcp.f32 v2  }
0x15f: {  	v47 =	vmul.f32 v38, v34;
	[tilespmem:s6+$0x1020] =	vst v45  }
0x160: {  	v48 =	vmul.f32 v57, v49;
	[tilespmem:s6+$0x1000] =	vst v46  }
0x161: {  	v49 =	vmul.f32 v57, v44;
	[tilespmem:s6+$0x1010] =	vst v47  }
0x162: {  	v50 =	vmul.f32 v57, v43;
	[tilespmem:s7+$0x1070] =	vst v48  }
0x163: {  	v51 =	vmul.f32 v57, v42;
	[tilespmem:s7+$0x1050] =	vst v49  }
0x164: {  	v52 =	vmul.f32 v57, v12;
	[tilespmem:s7+$0x1060] =	vst v50  }
0x165: {  	v53 =	vmul.f32 v57, v20;
	[tilespmem:s7+$0x1040] =	vst v51  }
0x166: {  	v0 =	vmul.f32 v57, v0;
	[tilespmem:s7+$0x1030] =	vst v52  }
0x167: {  	v54 =	vmul.f32 v57, v5;
	[tilespmem:s7+$0x1020] =	vst v53;
	v55 =	vpop (erf)  }
0x168: {  	[tilespmem:s7+$0x1000] =	vst v0;
	v56 =	vmul.f32 v55, v63  }
0x169: {  	[tilespmem:s7+$0x1010] =	vst v54;
	v57 =	vmul.f32 v55, v60  }
0x16a: {  	v58 =	vmul.f32 v55, v59;
	[tilespmem:s8+$0x1070] =	vst v56  }
0x16b: {  	v59 =	vmul.f32 v55, v26;
	[tilespmem:s8+$0x1050] =	vst v57  }
0x16c: {  	v60 =	vmul.f32 v55, v25;
	[tilespmem:s8+$0x1060] =	vst v58  }
0x16d: {  	v61 =	vmul.f32 v55, v28;
	[tilespmem:s8+$0x1040] =	vst v59  }
0x16e: {  	v62 =	vmul.f32 v55, v24;
	[tilespmem:s8+$0x1030] =	vst v60  }
0x16f: {  	v63 =	vmul.f32 v55, v18;
	[tilespmem:s8+$0x1020] =	vst v61  }
0x170: {  	s2 =	sadd.s32 s2, s3;
	[tilespmem:s8+$0x1000] =	vst v62  }
0x171: {  	s29 =	simm.s32 $0x0;
	s30 =	simm.s32 $0x1000;
	s31 =	simm.s32 $0x1;
	[tilespmem:s8+$0x1010] =	vst v63  }
0x172: {  	[hbm4b:s2+s29] =	stream.linear.scatter [tilespmem:s30], [sflag:$0x1], $0x1000, $0x38;
	[tilespmem:$0x2000] =	vst v63  }
0x173: {  	_ =	swait.ge [sflag:s31], $0x1000  }
0x174: {  	[sflag:s31] =	ssyncset.done $0x0  }
0x175: {  	[sflag:s31] =	ssyncadd.s32 $0xFFFFF000  }
0x176: {  	_ =	sfence.sel $0x180000  }
0x177: {  	[bflag:$0x0] =	sbarrier.arrive $0xFFFF  }
0x178: {  	p0 =	sne.s32 s1, $0x0;
	_ =	strace $0x90000047  }
0x179: {  	s0 =	sadd.s32 @!p0 $0x100000, s0;
	[bflag:$0x2] =	sbarrier.arrive $0xFFFF  }
0x17a: {  	[sflag:s0] =	ssyncadd.tile.s32 @!p0 $0x1;
	_ =	shalt  }
.Lfunc_end2:
_tile_overlayer_lowered:
.L_overlay_start_2:
0x17b: {  	(tag) =	ssettag $0x2  }
0x17c: {  	s0 =	rddreg [dreg:$0x0];
	s2 =	stileid.u32  }
0x17d: {  	s1 =	rddreg [dreg:$0x1];
	p0 =	sne.s32 s2, $0x0  }
0x17e: {  	s3 =	rddreg [dreg:$0x2];
	[bflag:$0x3] =	sbarrier.arrive $0xFFFF;
	s2 =	simm.s32 @!p0 $0x1C01  }
0x17f: {  	[timem:s3], [sflag:s2] =	dma.local @!p0 [hbm:s0], s1  }
0x180: {  	s0 =	simm.s32 @!p0 $0x1  }
0x181: {  	_ =	swait.ge @!p0 [sflag:s0], s1  }
0x182: {  	s1 =	ssub.s32 @!p0 $0x0, s1;
	[sflag:s0] =	ssyncset.done @!p0 $0x0  }
0x183: {  	[sflag:s0] =	ssyncadd.s32 @!p0 s1  }
0x184: {  	[bflag:$0x3] =	sbarrier.arrive $0xFFFF  }
0x185: {  	_ =	shalt  }

</sc_bundles>
